<compile_context>
chip_gen: v7x
topology: tpu7x:2x2x1
jax: 0.10.2.dev20260603
libtpu: 0.0.44.dev20260713+nightly
codegen_flags: <defaults>
</compile_context>

<pallas_src>
import functools

import jax
import jax.numpy as jnp
from jax import lax
from jax.experimental import pallas as pl
from jax.experimental.pallas import tpu as pltpu
from jax.experimental.pallas import tpu_sc as plsc

B, N, D = 64, 576, 768
HID, CD, CS = 512, 256, 512
M = B * N
TILE = 2048
GRID = M // TILE

NC, NS = 2, 16
NW = NC * NS
BPW = M // NW
CH = 128
NCHUNK = BPW // CH


def _precompute_kernel(cb_ref, wd1_ref, bd1_ref, wd2_ref, bd2_ref,
                       dec_cb_ref, c2_ref):
    hd = jnp.maximum(
        jnp.dot(cb_ref[...], wd1_ref[...],
                preferred_element_type=jnp.float32) + bd1_ref[...], 0.0)
    dec_cb_ref[...] = jnp.dot(hd, wd2_ref[...],
                              preferred_element_type=jnp.float32) + bd2_ref[...]
    c2_ref[...] = jnp.sum(cb_ref[...] * cb_ref[...], axis=-1)[None, :]


def _encode_kernel(x_ref, w1_ref, b1_ref, w2_ref, b2_ref, cb_ref, c2_ref,
                   idx_ref, loss_ref):
    step = pl.program_id(0)

    @pl.when(step == 0)
    def _():
        loss_ref[...] = jnp.zeros((1, 1), jnp.float32)

    h = jnp.maximum(
        jnp.dot(x_ref[...], w1_ref[...],
                preferred_element_type=jnp.float32) + b1_ref[...], 0.0)
    z = jnp.dot(h, w2_ref[...],
                preferred_element_type=jnp.float32) + b2_ref[...]

    z2 = jnp.sum(z * z, axis=-1, keepdims=True)
    zc = lax.dot_general(z, cb_ref[...],
                         (((1,), (1,)), ((), ())),
                         preferred_element_type=jnp.float32)
    dist = z2 - 2.0 * zc + c2_ref[...]

    idx_ref[...] = jnp.argmin(dist, axis=-1).astype(jnp.int32)[:, None]
    loss_ref[...] += jnp.sum(jnp.min(dist, axis=-1)).reshape(1, 1)


def _sc_gather_kernel(idx_hbm, table_hbm, out_hbm, idx_v, bufs, sem0):
    wid = lax.axis_index("s") * NC + lax.axis_index("c")
    base = wid * BPW
    pltpu.sync_copy(idx_hbm.at[pl.ds(base, BPW)], idx_v)

    for c in range(NCHUNK):
        pltpu.async_copy(
            table_hbm.at[idx_v.at[pl.ds(c * CH, CH)]], bufs, sem0).wait()
        pltpu.sync_copy(bufs, out_hbm.at[pl.ds(base + c * CH, CH)])


_sc_gather = pl.kernel(
    _sc_gather_kernel,
    mesh=plsc.VectorSubcoreMesh(core_axis_name="c", subcore_axis_name="s"),
    out_type=jax.ShapeDtypeStruct((M, D), jnp.float32),
    scratch_types=[
        pltpu.VMEM((BPW,), jnp.int32),
        pltpu.VMEM((CH, D), jnp.float32),
        pltpu.SemaphoreType.DMA,
    ],
)


@jax.jit
def kernel(x, W1, b1, W2, b2, codebook, Wd1, bd1, Wd2, bd2):
    x2 = x.reshape(M, D)
    full = lambda shape: pl.BlockSpec(shape, lambda *_: (0,) * len(shape))

    dec_cb, c2 = pl.pallas_call(
        _precompute_kernel,
        out_shape=[
            jax.ShapeDtypeStruct((CS, D), jnp.float32),
            jax.ShapeDtypeStruct((1, CS), jnp.float32),
        ],
    )(codebook, Wd1, bd1.reshape(1, HID), Wd2, bd2.reshape(1, D))

    idx, loss = pl.pallas_call(
        _encode_kernel,
        grid=(GRID,),
        in_specs=[
            pl.BlockSpec((TILE, D), lambda i: (i, 0)),
            full((D, HID)), full((1, HID)),
            full((HID, CD)), full((1, CD)),
            full((CS, CD)), full((1, CS)),
        ],
        out_specs=[
            pl.BlockSpec((TILE, 1), lambda i: (i, 0)),
            pl.BlockSpec((1, 1), lambda i: (0, 0)),
        ],
        out_shape=[
            jax.ShapeDtypeStruct((M, 1), jnp.int32),
            jax.ShapeDtypeStruct((1, 1), jnp.float32),
        ],
        compiler_params=pltpu.CompilerParams(
            dimension_semantics=("arbitrary",)),
    )(x2, W1, b1.reshape(1, HID), W2, b2.reshape(1, CD), codebook, c2)

    recon = _sc_gather(idx.reshape(M), dec_cb).reshape(B, N, D)
    indices = idx.reshape(B, N)
    commit_loss = loss[0, 0] / (M * CD)
    return recon, indices, commit_loss

# --- scband reference (transcript-rebuilt; emitter-appended) ---
"""Pipeline reference for scband-decision-vqvae-1116691497623 (READ-ONLY COPY).

The authoritative reference and input builder live on the scoring server;
editing this copy changes nothing except your own understanding.
"""

import jax, jax.numpy as jnp
import numpy as np

B, N, D = 64, 576, 768
HID, CD, CS = 512, 256, 512

def setup_inputs(seed: int = 0) -> dict:
    key = jax.random.key(seed)
    ks = jax.random.split(key, 8)
    x = jax.random.normal(ks[0], (B, N, D), dtype=jnp.float32)
    W1 = jax.random.normal(ks[1], (D, HID), dtype=jnp.float32) * (1.0 / np.sqrt(D))
    b1 = jnp.zeros((HID,), dtype=jnp.float32)
    W2 = jax.random.normal(ks[2], (HID, CD), dtype=jnp.float32) * (1.0 / np.sqrt(HID))
    b2 = jnp.zeros((CD,), dtype=jnp.float32)
    codebook = jax.random.normal(ks[3], (CS, CD), dtype=jnp.float32)
    Wd1 = jax.random.normal(ks[4], (CD, HID), dtype=jnp.float32) * (1.0 / np.sqrt(CD))
    bd1 = jnp.zeros((HID,), dtype=jnp.float32)
    Wd2 = jax.random.normal(ks[5], (HID, D), dtype=jnp.float32) * (1.0 / np.sqrt(HID))
    bd2 = jnp.zeros((D,), dtype=jnp.float32)
    return {"x": x, "W1": W1, "b1": b1, "W2": W2, "b2": b2, "codebook": codebook,
            "Wd1": Wd1, "bd1": bd1, "Wd2": Wd2, "bd2": bd2}

def reference(x, W1, b1, W2, b2, codebook, Wd1, bd1, Wd2, bd2):
    # encoder
    h = jnp.maximum(jnp.dot(x, W1) + b1, 0.0)
    z = jnp.dot(h, W2) + b2  # [B, N, CD]
    # vector quantize: nearest codebook entry by L2 distance
    z2 = jnp.sum(z * z, axis=-1, keepdims=True)          # [B, N, 1]
    c2 = jnp.sum(codebook * codebook, axis=-1)           # [CS]
    dist = z2 - 2.0 * jnp.dot(z, codebook.T) + c2        # [B, N, CS]
    indices = jnp.argmin(dist, axis=-1)                  # [B, N]
    quantized = jnp.take(codebook, indices, axis=0)      # [B, N, CD]
    # commitment loss (commitment_weight=1.0); codebook side updated via EMA (decay=0.8), not gradient
    commit_loss = jnp.mean((z - jax.lax.stop_gradient(quantized)) ** 2) * 1.0
    # straight-through estimator
    q_st = z + jax.lax.stop_gradient(quantized - z)
    # decoder
    hd = jnp.maximum(jnp.dot(q_st, Wd1) + bd1, 0.0)
    recon = jnp.dot(hd, Wd2) + bd2
    return (recon, indices, commit_loss)

if __name__ == "__main__":
    import jax
    _d = setup_inputs()
    print(jax.jit(kernel)(*tuple(_d.values())))

</pallas_src>

<mosaic_0001>
#map = affine_map<(d0, d1) -> (0)>
#map1 = affine_map<(d0, d1) -> (0, 0)>
module attributes {stable_mosaic.version = 14 : i64} {
  func.func @_sc_gather_kernel(%arg0: i32, %arg1: i32, %arg2: memref<36864xi32, #tpu.memory_space<hbm>>, %arg3: memref<512x768xf32, #tpu.memory_space<hbm>>, %arg4: memref<36864x768xf32, #tpu.memory_space<hbm>>, %arg5: memref<1152xi32, #tpu.memory_space<vmem>>, %arg6: memref<128x768xf32, #tpu.memory_space<vmem>>, %arg7: memref<!tpu.dma_semaphore, #tpu.memory_space<semaphore_mem>>) attributes {dimension_semantics = [#tpu.dimension_semantics<core_parallel>, #tpu.dimension_semantics<subcore_parallel>], iteration_bounds = array<i64: 2, 16>, scalar_prefetch = 0 : i64, scratch_operands = 3 : i64, tpu.core_type = #tpu.core_type<sc_vector_subcore>, window_params = [{transform_indices = #map}, {transform_indices = #map1}, {transform_indices = #map1}]} {
    %mul3A = arith.constant 2 : i32
    %mul3A_0 = arith.muli %arg1, %mul3A : i32
    %add3A = arith.addi %mul3A_0, %arg0 : i32
    %mul3A_1 = arith.constant 1152 : i32
    %mul3A_2 = arith.muli %add3A, %mul3A_1 : i32
    "tpu.region"() ({
      %run_scoped3A = tpu.sem_alloc : memref<!tpu.dma_semaphore, #tpu.memory_space<semaphore_mem>>
      %dma_start3A_109 = tpu.memref_slice %arg2[%mul3A_2] : memref<36864xi32, #tpu.memory_space<hbm>> -> memref<1152xi32, #tpu.memory_space<hbm>>
      %dma_start3A_110 = tpu.memref_slice %arg2[%mul3A_2] : memref<36864xi32, #tpu.memory_space<hbm>> -> memref<1152xi32, #tpu.memory_space<hbm>>
      tpu.enqueue_dma source(%dma_start3A_110 : memref<1152xi32, #tpu.memory_space<hbm>>) target(%arg5 : memref<1152xi32, #tpu.memory_space<vmem>>) target_semaphore(%run_scoped3A : memref<!tpu.dma_semaphore, #tpu.memory_space<semaphore_mem>>)
      %dma_wait3A_111 = tpu.memref_slice %arg2[%mul3A_2] : memref<36864xi32, #tpu.memory_space<hbm>> -> memref<1152xi32, #tpu.memory_space<hbm>>
      %dma_wait3A_112 = tpu.memref_slice %arg2[%mul3A_2] : memref<36864xi32, #tpu.memory_space<hbm>> -> memref<1152xi32, #tpu.memory_space<hbm>>
      tpu.wait_dma2 semaphore(%run_scoped3A : memref<!tpu.dma_semaphore, #tpu.memory_space<semaphore_mem>>) src(%dma_wait3A_112 : memref<1152xi32, #tpu.memory_space<hbm>>) dst(%arg5 : memref<1152xi32, #tpu.memory_space<vmem>>)
      tpu.yield
    }) : () -> ()
    %dma_start3A = arith.constant 0 : i32
    %dma_start3A_3 = tpu.memref_slice %arg5[%dma_start3A] : memref<1152xi32, #tpu.memory_space<vmem>> -> memref<128xi32, #tpu.memory_space<vmem>>
    %dma_start3A_4 = arith.constant 0 : i32
    %dma_start3A_5 = arith.constant 0 : i32
    %dma_start3A_6 = tpu.memref_slice %arg3[%dma_start3A_4, %dma_start3A_5] : memref<512x768xf32, #tpu.memory_space<hbm>> -> memref<512x768xf32, #tpu.memory_space<hbm>>
    tpu.enqueue_indirect_dma source(%dma_start3A_6 : memref<512x768xf32, #tpu.memory_space<hbm>>) target(%arg6 : memref<128x768xf32, #tpu.memory_space<vmem>>) offsets(%dma_start3A_3 : memref<128xi32, #tpu.memory_space<vmem>>) semaphore(%arg7 : memref<!tpu.dma_semaphore, #tpu.memory_space<semaphore_mem>>)
    %dma_wait3A = arith.constant 0 : i32
    %dma_wait3A_7 = tpu.memref_slice %arg5[%dma_wait3A] : memref<1152xi32, #tpu.memory_space<vmem>> -> memref<128xi32, #tpu.memory_space<vmem>>
    %dma_wait3A_8 = arith.constant 0 : i32
    %dma_wait3A_9 = arith.constant 0 : i32
    %dma_wait3A_10 = tpu.memref_slice %arg3[%dma_wait3A_8, %dma_wait3A_9] : memref<512x768xf32, #tpu.memory_space<hbm>> -> memref<512x768xf32, #tpu.memory_space<hbm>>
    tpu.wait_indirect_dma semaphore(%arg7 : memref<!tpu.dma_semaphore, #tpu.memory_space<semaphore_mem>>) src(%dma_wait3A_10 : memref<512x768xf32, #tpu.memory_space<hbm>>) dst(%arg6 : memref<128x768xf32, #tpu.memory_space<vmem>>)
    %add3A_11 = arith.constant 0 : i32
    %add3A_12 = arith.addi %mul3A_2, %add3A_11 : i32
    "tpu.region"() ({
      %run_scoped3A = tpu.sem_alloc : memref<!tpu.dma_semaphore, #tpu.memory_space<semaphore_mem>>
      %dma_start3A_109 = arith.constant 0 : i32
      %dma_start3A_110 = tpu.memref_slice %arg4[%add3A_12, %dma_start3A_109] : memref<36864x768xf32, #tpu.memory_space<hbm>> -> memref<128x768xf32, #tpu.memory_space<hbm>>
      %dma_start3A_111 = arith.constant 0 : i32
      %dma_start3A_112 = tpu.memref_slice %arg4[%add3A_12, %dma_start3A_111] : memref<36864x768xf32, #tpu.memory_space<hbm>> -> memref<128x768xf32, #tpu.memory_space<hbm>>
      tpu.enqueue_dma source(%arg6 : memref<128x768xf32, #tpu.memory_space<vmem>>) target(%dma_start3A_112 : memref<128x768xf32, #tpu.memory_space<hbm>>) target_semaphore(%run_scoped3A : memref<!tpu.dma_semaphore, #tpu.memory_space<semaphore_mem>>)
      %dma_wait3A_113 = arith.constant 0 : i32
      %dma_wait3A_114 = tpu.memref_slice %arg4[%add3A_12, %dma_wait3A_113] : memref<36864x768xf32, #tpu.memory_space<hbm>> -> memref<128x768xf32, #tpu.memory_space<hbm>>
      %dma_wait3A_115 = arith.constant 0 : i32
      %dma_wait3A_116 = tpu.memref_slice %arg4[%add3A_12, %dma_wait3A_115] : memref<36864x768xf32, #tpu.memory_space<hbm>> -> memref<128x768xf32, #tpu.memory_space<hbm>>
      tpu.wait_dma2 semaphore(%run_scoped3A : memref<!tpu.dma_semaphore, #tpu.memory_space<semaphore_mem>>) src(%arg6 : memref<128x768xf32, #tpu.memory_space<vmem>>) dst(%dma_wait3A_116 : memref<128x768xf32, #tpu.memory_space<hbm>>)
      tpu.yield
    }) : () -> ()
    %dma_start3A_13 = arith.constant 128 : i32
    %dma_start3A_14 = tpu.memref_slice %arg5[%dma_start3A_13] : memref<1152xi32, #tpu.memory_space<vmem>> -> memref<128xi32, #tpu.memory_space<vmem>>
    %dma_start3A_15 = arith.constant 0 : i32
    %dma_start3A_16 = arith.constant 0 : i32
    %dma_start3A_17 = tpu.memref_slice %arg3[%dma_start3A_15, %dma_start3A_16] : memref<512x768xf32, #tpu.memory_space<hbm>> -> memref<512x768xf32, #tpu.memory_space<hbm>>
    tpu.enqueue_indirect_dma source(%dma_start3A_17 : memref<512x768xf32, #tpu.memory_space<hbm>>) target(%arg6 : memref<128x768xf32, #tpu.memory_space<vmem>>) offsets(%dma_start3A_14 : memref<128xi32, #tpu.memory_space<vmem>>) semaphore(%arg7 : memref<!tpu.dma_semaphore, #tpu.memory_space<semaphore_mem>>)
    %dma_wait3A_18 = arith.constant 128 : i32
    %dma_wait3A_19 = tpu.memref_slice %arg5[%dma_wait3A_18] : memref<1152xi32, #tpu.memory_space<vmem>> -> memref<128xi32, #tpu.memory_space<vmem>>
    %dma_wait3A_20 = arith.constant 0 : i32
    %dma_wait3A_21 = arith.constant 0 : i32
    %dma_wait3A_22 = tpu.memref_slice %arg3[%dma_wait3A_20, %dma_wait3A_21] : memref<512x768xf32, #tpu.memory_space<hbm>> -> memref<512x768xf32, #tpu.memory_space<hbm>>
    tpu.wait_indirect_dma semaphore(%arg7 : memref<!tpu.dma_semaphore, #tpu.memory_space<semaphore_mem>>) src(%dma_wait3A_22 : memref<512x768xf32, #tpu.memory_space<hbm>>) dst(%arg6 : memref<128x768xf32, #tpu.memory_space<vmem>>)
    %add3A_23 = arith.constant 128 : i32
    %add3A_24 = arith.addi %mul3A_2, %add3A_23 : i32
    "tpu.region"() ({
      %run_scoped3A = tpu.sem_alloc : memref<!tpu.dma_semaphore, #tpu.memory_space<semaphore_mem>>
      %dma_start3A_109 = arith.constant 0 : i32
      %dma_start3A_110 = tpu.memref_slice %arg4[%add3A_24, %dma_start3A_109] : memref<36864x768xf32, #tpu.memory_space<hbm>> -> memref<128x768xf32, #tpu.memory_space<hbm>>
      %dma_start3A_111 = arith.constant 0 : i32
      %dma_start3A_112 = tpu.memref_slice %arg4[%add3A_24, %dma_start3A_111] : memref<36864x768xf32, #tpu.memory_space<hbm>> -> memref<128x768xf32, #tpu.memory_space<hbm>>
      tpu.enqueue_dma source(%arg6 : memref<128x768xf32, #tpu.memory_space<vmem>>) target(%dma_start3A_112 : memref<128x768xf32, #tpu.memory_space<hbm>>) target_semaphore(%run_scoped3A : memref<!tpu.dma_semaphore, #tpu.memory_space<semaphore_mem>>)
      %dma_wait3A_113 = arith.constant 0 : i32
      %dma_wait3A_114 = tpu.memref_slice %arg4[%add3A_24, %dma_wait3A_113] : memref<36864x768xf32, #tpu.memory_space<hbm>> -> memref<128x768xf32, #tpu.memory_space<hbm>>
      %dma_wait3A_115 = arith.constant 0 : i32
      %dma_wait3A_116 = tpu.memref_slice %arg4[%add3A_24, %dma_wait3A_115] : memref<36864x768xf32, #tpu.memory_space<hbm>> -> memref<128x768xf32, #tpu.memory_space<hbm>>
      tpu.wait_dma2 semaphore(%run_scoped3A : memref<!tpu.dma_semaphore, #tpu.memory_space<semaphore_mem>>) src(%arg6 : memref<128x768xf32, #tpu.memory_space<vmem>>) dst(%dma_wait3A_116 : memref<128x768xf32, #tpu.memory_space<hbm>>)
      tpu.yield
    }) : () -> ()
    %dma_start3A_25 = arith.constant 256 : i32
    %dma_start3A_26 = tpu.memref_slice %arg5[%dma_start3A_25] : memref<1152xi32, #tpu.memory_space<vmem>> -> memref<128xi32, #tpu.memory_space<vmem>>
    %dma_start3A_27 = arith.constant 0 : i32
    %dma_start3A_28 = arith.constant 0 : i32
    %dma_start3A_29 = tpu.memref_slice %arg3[%dma_start3A_27, %dma_start3A_28] : memref<512x768xf32, #tpu.memory_space<hbm>> -> memref<512x768xf32, #tpu.memory_space<hbm>>
    tpu.enqueue_indirect_dma source(%dma_start3A_29 : memref<512x768xf32, #tpu.memory_space<hbm>>) target(%arg6 : memref<128x768xf32, #tpu.memory_space<vmem>>) offsets(%dma_start3A_26 : memref<128xi32, #tpu.memory_space<vmem>>) semaphore(%arg7 : memref<!tpu.dma_semaphore, #tpu.memory_space<semaphore_mem>>)
    %dma_wait3A_30 = arith.constant 256 : i32
    %dma_wait3A_31 = tpu.memref_slice %arg5[%dma_wait3A_30] : memref<1152xi32, #tpu.memory_space<vmem>> -> memref<128xi32, #tpu.memory_space<vmem>>
    %dma_wait3A_32 = arith.constant 0 : i32
    %dma_wait3A_33 = arith.constant 0 : i32
    %dma_wait3A_34 = tpu.memref_slice %arg3[%dma_wait3A_32, %dma_wait3A_33] : memref<512x768xf32, #tpu.memory_space<hbm>> -> memref<512x768xf32, #tpu.memory_space<hbm>>
    tpu.wait_indirect_dma semaphore(%arg7 : memref<!tpu.dma_semaphore, #tpu.memory_space<semaphore_mem>>) src(%dma_wait3A_34 : memref<512x768xf32, #tpu.memory_space<hbm>>) dst(%arg6 : memref<128x768xf32, #tpu.memory_space<vmem>>)
    %add3A_35 = arith.constant 256 : i32
    %add3A_36 = arith.addi %mul3A_2, %add3A_35 : i32
    "tpu.region"() ({
      %run_scoped3A = tpu.sem_alloc : memref<!tpu.dma_semaphore, #tpu.memory_space<semaphore_mem>>
      %dma_start3A_109 = arith.constant 0 : i32
      %dma_start3A_110 = tpu.memref_slice %arg4[%add3A_36, %dma_start3A_109] : memref<36864x768xf32, #tpu.memory_space<hbm>> -> memref<128x768xf32, #tpu.memory_space<hbm>>
      %dma_start3A_111 = arith.constant 0 : i32
      %dma_start3A_112 = tpu.memref_slice %arg4[%add3A_36, %dma_start3A_111] : memref<36864x768xf32, #tpu.memory_space<hbm>> -> memref<128x768xf32, #tpu.memory_space<hbm>>
      tpu.enqueue_dma source(%arg6 : memref<128x768xf32, #tpu.memory_space<vmem>>) target(%dma_start3A_112 : memref<128x768xf32, #tpu.memory_space<hbm>>) target_semaphore(%run_scoped3A : memref<!tpu.dma_semaphore, #tpu.memory_space<semaphore_mem>>)
      %dma_wait3A_113 = arith.constant 0 : i32
      %dma_wait3A_114 = tpu.memref_slice %arg4[%add3A_36, %dma_wait3A_113] : memref<36864x768xf32, #tpu.memory_space<hbm>> -> memref<128x768xf32, #tpu.memory_space<hbm>>
      %dma_wait3A_115 = arith.constant 0 : i32
      %dma_wait3A_116 = tpu.memref_slice %arg4[%add3A_36, %dma_wait3A_115] : memref<36864x768xf32, #tpu.memory_space<hbm>> -> memref<128x768xf32, #tpu.memory_space<hbm>>
      tpu.wait_dma2 semaphore(%run_scoped3A : memref<!tpu.dma_semaphore, #tpu.memory_space<semaphore_mem>>) src(%arg6 : memref<128x768xf32, #tpu.memory_space<vmem>>) dst(%dma_wait3A_116 : memref<128x768xf32, #tpu.memory_space<hbm>>)
      tpu.yield
    }) : () -> ()
    %dma_start3A_37 = arith.constant 384 : i32
    %dma_start3A_38 = tpu.memref_slice %arg5[%dma_start3A_37] : memref<1152xi32, #tpu.memory_space<vmem>> -> memref<128xi32, #tpu.memory_space<vmem>>
    %dma_start3A_39 = arith.constant 0 : i32
    %dma_start3A_40 = arith.constant 0 : i32
    %dma_start3A_41 = tpu.memref_slice %arg3[%dma_start3A_39, %dma_start3A_40] : memref<512x768xf32, #tpu.memory_space<hbm>> -> memref<512x768xf32, #tpu.memory_space<hbm>>
    tpu.enqueue_indirect_dma source(%dma_start3A_41 : memref<512x768xf32, #tpu.memory_space<hbm>>) target(%arg6 : memref<128x768xf32, #tpu.memory_space<vmem>>) offsets(%dma_start3A_38 : memref<128xi32, #tpu.memory_space<vmem>>) semaphore(%arg7 : memref<!tpu.dma_semaphore, #tpu.memory_space<semaphore_mem>>)
    %dma_wait3A_42 = arith.constant 384 : i32
    %dma_wait3A_43 = tpu.memref_slice %arg5[%dma_wait3A_42] : memref<1152xi32, #tpu.memory_space<vmem>> -> memref<128xi32, #tpu.memory_space<vmem>>
    %dma_wait3A_44 = arith.constant 0 : i32
    %dma_wait3A_45 = arith.constant 0 : i32
    %dma_wait3A_46 = tpu.memref_slice %arg3[%dma_wait3A_44, %dma_wait3A_45] : memref<512x768xf32, #tpu.memory_space<hbm>> -> memref<512x768xf32, #tpu.memory_space<hbm>>
    tpu.wait_indirect_dma semaphore(%arg7 : memref<!tpu.dma_semaphore, #tpu.memory_space<semaphore_mem>>) src(%dma_wait3A_46 : memref<512x768xf32, #tpu.memory_space<hbm>>) dst(%arg6 : memref<128x768xf32, #tpu.memory_space<vmem>>)
    %add3A_47 = arith.constant 384 : i32
    %add3A_48 = arith.addi %mul3A_2, %add3A_47 : i32
    "tpu.region"() ({
      %run_scoped3A = tpu.sem_alloc : memref<!tpu.dma_semaphore, #tpu.memory_space<semaphore_mem>>
      %dma_start3A_109 = arith.constant 0 : i32
      %dma_start3A_110 = tpu.memref_slice %arg4[%add3A_48, %dma_start3A_109] : memref<36864x768xf32, #tpu.memory_space<hbm>> -> memref<128x768xf32, #tpu.memory_space<hbm>>
      %dma_start3A_111 = arith.constant 0 : i32
      %dma_start3A_112 = tpu.memref_slice %arg4[%add3A_48, %dma_start3A_111] : memref<36864x768xf32, #tpu.memory_space<hbm>> -> memref<128x768xf32, #tpu.memory_space<hbm>>
      tpu.enqueue_dma source(%arg6 : memref<128x768xf32, #tpu.memory_space<vmem>>) target(%dma_start3A_112 : memref<128x768xf32, #tpu.memory_space<hbm>>) target_semaphore(%run_scoped3A : memref<!tpu.dma_semaphore, #tpu.memory_space<semaphore_mem>>)
      %dma_wait3A_113 = arith.constant 0 : i32
      %dma_wait3A_114 = tpu.memref_slice %arg4[%add3A_48, %dma_wait3A_113] : memref<36864x768xf32, #tpu.memory_space<hbm>> -> memref<128x768xf32, #tpu.memory_space<hbm>>
      %dma_wait3A_115 = arith.constant 0 : i32
      %dma_wait3A_116 = tpu.memref_slice %arg4[%add3A_48, %dma_wait3A_115] : memref<36864x768xf32, #tpu.memory_space<hbm>> -> memref<128x768xf32, #tpu.memory_space<hbm>>
      tpu.wait_dma2 semaphore(%run_scoped3A : memref<!tpu.dma_semaphore, #tpu.memory_space<semaphore_mem>>) src(%arg6 : memref<128x768xf32, #tpu.memory_space<vmem>>) dst(%dma_wait3A_116 : memref<128x768xf32, #tpu.memory_space<hbm>>)
      tpu.yield
    }) : () -> ()
    %dma_start3A_49 = arith.constant 512 : i32
    %dma_start3A_50 = tpu.memref_slice %arg5[%dma_start3A_49] : memref<1152xi32, #tpu.memory_space<vmem>> -> memref<128xi32, #tpu.memory_space<vmem>>
    %dma_start3A_51 = arith.constant 0 : i32
    %dma_start3A_52 = arith.constant 0 : i32
    %dma_start3A_53 = tpu.memref_slice %arg3[%dma_start3A_51, %dma_start3A_52] : memref<512x768xf32, #tpu.memory_space<hbm>> -> memref<512x768xf32, #tpu.memory_space<hbm>>
    tpu.enqueue_indirect_dma source(%dma_start3A_53 : memref<512x768xf32, #tpu.memory_space<hbm>>) target(%arg6 : memref<128x768xf32, #tpu.memory_space<vmem>>) offsets(%dma_start3A_50 : memref<128xi32, #tpu.memory_space<vmem>>) semaphore(%arg7 : memref<!tpu.dma_semaphore, #tpu.memory_space<semaphore_mem>>)
    %dma_wait3A_54 = arith.constant 512 : i32
    %dma_wait3A_55 = tpu.memref_slice %arg5[%dma_wait3A_54] : memref<1152xi32, #tpu.memory_space<vmem>> -> memref<128xi32, #tpu.memory_space<vmem>>
    %dma_wait3A_56 = arith.constant 0 : i32
    %dma_wait3A_57 = arith.constant 0 : i32
    %dma_wait3A_58 = tpu.memref_slice %arg3[%dma_wait3A_56, %dma_wait3A_57] : memref<512x768xf32, #tpu.memory_space<hbm>> -> memref<512x768xf32, #tpu.memory_space<hbm>>
    tpu.wait_indirect_dma semaphore(%arg7 : memref<!tpu.dma_semaphore, #tpu.memory_space<semaphore_mem>>) src(%dma_wait3A_58 : memref<512x768xf32, #tpu.memory_space<hbm>>) dst(%arg6 : memref<128x768xf32, #tpu.memory_space<vmem>>)
    %add3A_59 = arith.constant 512 : i32
    %add3A_60 = arith.addi %mul3A_2, %add3A_59 : i32
    "tpu.region"() ({
      %run_scoped3A = tpu.sem_alloc : memref<!tpu.dma_semaphore, #tpu.memory_space<semaphore_mem>>
      %dma_start3A_109 = arith.constant 0 : i32
      %dma_start3A_110 = tpu.memref_slice %arg4[%add3A_60, %dma_start3A_109] : memref<36864x768xf32, #tpu.memory_space<hbm>> -> memref<128x768xf32, #tpu.memory_space<hbm>>
      %dma_start3A_111 = arith.constant 0 : i32
      %dma_start3A_112 = tpu.memref_slice %arg4[%add3A_60, %dma_start3A_111] : memref<36864x768xf32, #tpu.memory_space<hbm>> -> memref<128x768xf32, #tpu.memory_space<hbm>>
      tpu.enqueue_dma source(%arg6 : memref<128x768xf32, #tpu.memory_space<vmem>>) target(%dma_start3A_112 : memref<128x768xf32, #tpu.memory_space<hbm>>) target_semaphore(%run_scoped3A : memref<!tpu.dma_semaphore, #tpu.memory_space<semaphore_mem>>)
      %dma_wait3A_113 = arith.constant 0 : i32
      %dma_wait3A_114 = tpu.memref_slice %arg4[%add3A_60, %dma_wait3A_113] : memref<36864x768xf32, #tpu.memory_space<hbm>> -> memref<128x768xf32, #tpu.memory_space<hbm>>
      %dma_wait3A_115 = arith.constant 0 : i32
      %dma_wait3A_116 = tpu.memref_slice %arg4[%add3A_60, %dma_wait3A_115] : memref<36864x768xf32, #tpu.memory_space<hbm>> -> memref<128x768xf32, #tpu.memory_space<hbm>>
      tpu.wait_dma2 semaphore(%run_scoped3A : memref<!tpu.dma_semaphore, #tpu.memory_space<semaphore_mem>>) src(%arg6 : memref<128x768xf32, #tpu.memory_space<vmem>>) dst(%dma_wait3A_116 : memref<128x768xf32, #tpu.memory_space<hbm>>)
      tpu.yield
    }) : () -> ()
    %dma_start3A_61 = arith.constant 640 : i32
    %dma_start3A_62 = tpu.memref_slice %arg5[%dma_start3A_61] : memref<1152xi32, #tpu.memory_space<vmem>> -> memref<128xi32, #tpu.memory_space<vmem>>
    %dma_start3A_63 = arith.constant 0 : i32
    %dma_start3A_64 = arith.constant 0 : i32
    %dma_start3A_65 = tpu.memref_slice %arg3[%dma_start3A_63, %dma_start3A_64] : memref<512x768xf32, #tpu.memory_space<hbm>> -> memref<512x768xf32, #tpu.memory_space<hbm>>
    tpu.enqueue_indirect_dma source(%dma_start3A_65 : memref<512x768xf32, #tpu.memory_space<hbm>>) target(%arg6 : memref<128x768xf32, #tpu.memory_space<vmem>>) offsets(%dma_start3A_62 : memref<128xi32, #tpu.memory_space<vmem>>) semaphore(%arg7 : memref<!tpu.dma_semaphore, #tpu.memory_space<semaphore_mem>>)
    %dma_wait3A_66 = arith.constant 640 : i32
    %dma_wait3A_67 = tpu.memref_slice %arg5[%dma_wait3A_66] : memref<1152xi32, #tpu.memory_space<vmem>> -> memref<128xi32, #tpu.memory_space<vmem>>
    %dma_wait3A_68 = arith.constant 0 : i32
    %dma_wait3A_69 = arith.constant 0 : i32
    %dma_wait3A_70 = tpu.memref_slice %arg3[%dma_wait3A_68, %dma_wait3A_69] : memref<512x768xf32, #tpu.memory_space<hbm>> -> memref<512x768xf32, #tpu.memory_space<hbm>>
    tpu.wait_indirect_dma semaphore(%arg7 : memref<!tpu.dma_semaphore, #tpu.memory_space<semaphore_mem>>) src(%dma_wait3A_70 : memref<512x768xf32, #tpu.memory_space<hbm>>) dst(%arg6 : memref<128x768xf32, #tpu.memory_space<vmem>>)
    %add3A_71 = arith.constant 640 : i32
    %add3A_72 = arith.addi %mul3A_2, %add3A_71 : i32
    "tpu.region"() ({
      %run_scoped3A = tpu.sem_alloc : memref<!tpu.dma_semaphore, #tpu.memory_space<semaphore_mem>>
      %dma_start3A_109 = arith.constant 0 : i32
      %dma_start3A_110 = tpu.memref_slice %arg4[%add3A_72, %dma_start3A_109] : memref<36864x768xf32, #tpu.memory_space<hbm>> -> memref<128x768xf32, #tpu.memory_space<hbm>>
      %dma_start3A_111 = arith.constant 0 : i32
      %dma_start3A_112 = tpu.memref_slice %arg4[%add3A_72, %dma_start3A_111] : memref<36864x768xf32, #tpu.memory_space<hbm>> -> memref<128x768xf32, #tpu.memory_space<hbm>>
      tpu.enqueue_dma source(%arg6 : memref<128x768xf32, #tpu.memory_space<vmem>>) target(%dma_start3A_112 : memref<128x768xf32, #tpu.memory_space<hbm>>) target_semaphore(%run_scoped3A : memref<!tpu.dma_semaphore, #tpu.memory_space<semaphore_mem>>)
      %dma_wait3A_113 = arith.constant 0 : i32
      %dma_wait3A_114 = tpu.memref_slice %arg4[%add3A_72, %dma_wait3A_113] : memref<36864x768xf32, #tpu.memory_space<hbm>> -> memref<128x768xf32, #tpu.memory_space<hbm>>
      %dma_wait3A_115 = arith.constant 0 : i32
      %dma_wait3A_116 = tpu.memref_slice %arg4[%add3A_72, %dma_wait3A_115] : memref<36864x768xf32, #tpu.memory_space<hbm>> -> memref<128x768xf32, #tpu.memory_space<hbm>>
      tpu.wait_dma2 semaphore(%run_scoped3A : memref<!tpu.dma_semaphore, #tpu.memory_space<semaphore_mem>>) src(%arg6 : memref<128x768xf32, #tpu.memory_space<vmem>>) dst(%dma_wait3A_116 : memref<128x768xf32, #tpu.memory_space<hbm>>)
      tpu.yield
    }) : () -> ()
    %dma_start3A_73 = arith.constant 768 : i32
    %dma_start3A_74 = tpu.memref_slice %arg5[%dma_start3A_73] : memref<1152xi32, #tpu.memory_space<vmem>> -> memref<128xi32, #tpu.memory_space<vmem>>
    %dma_start3A_75 = arith.constant 0 : i32
    %dma_start3A_76 = arith.constant 0 : i32
    %dma_start3A_77 = tpu.memref_slice %arg3[%dma_start3A_75, %dma_start3A_76] : memref<512x768xf32, #tpu.memory_space<hbm>> -> memref<512x768xf32, #tpu.memory_space<hbm>>
    tpu.enqueue_indirect_dma source(%dma_start3A_77 : memref<512x768xf32, #tpu.memory_space<hbm>>) target(%arg6 : memref<128x768xf32, #tpu.memory_space<vmem>>) offsets(%dma_start3A_74 : memref<128xi32, #tpu.memory_space<vmem>>) semaphore(%arg7 : memref<!tpu.dma_semaphore, #tpu.memory_space<semaphore_mem>>)
    %dma_wait3A_78 = arith.constant 768 : i32
    %dma_wait3A_79 = tpu.memref_slice %arg5[%dma_wait3A_78] : memref<1152xi32, #tpu.memory_space<vmem>> -> memref<128xi32, #tpu.memory_space<vmem>>
    %dma_wait3A_80 = arith.constant 0 : i32
    %dma_wait3A_81 = arith.constant 0 : i32
    %dma_wait3A_82 = tpu.memref_slice %arg3[%dma_wait3A_80, %dma_wait3A_81] : memref<512x768xf32, #tpu.memory_space<hbm>> -> memref<512x768xf32, #tpu.memory_space<hbm>>
    tpu.wait_indirect_dma semaphore(%arg7 : memref<!tpu.dma_semaphore, #tpu.memory_space<semaphore_mem>>) src(%dma_wait3A_82 : memref<512x768xf32, #tpu.memory_space<hbm>>) dst(%arg6 : memref<128x768xf32, #tpu.memory_space<vmem>>)
    %add3A_83 = arith.constant 768 : i32
    %add3A_84 = arith.addi %mul3A_2, %add3A_83 : i32
    "tpu.region"() ({
      %run_scoped3A = tpu.sem_alloc : memref<!tpu.dma_semaphore, #tpu.memory_space<semaphore_mem>>
      %dma_start3A_109 = arith.constant 0 : i32
      %dma_start3A_110 = tpu.memref_slice %arg4[%add3A_84, %dma_start3A_109] : memref<36864x768xf32, #tpu.memory_space<hbm>> -> memref<128x768xf32, #tpu.memory_space<hbm>>
      %dma_start3A_111 = arith.constant 0 : i32
      %dma_start3A_112 = tpu.memref_slice %arg4[%add3A_84, %dma_start3A_111] : memref<36864x768xf32, #tpu.memory_space<hbm>> -> memref<128x768xf32, #tpu.memory_space<hbm>>
      tpu.enqueue_dma source(%arg6 : memref<128x768xf32, #tpu.memory_space<vmem>>) target(%dma_start3A_112 : memref<128x768xf32, #tpu.memory_space<hbm>>) target_semaphore(%run_scoped3A : memref<!tpu.dma_semaphore, #tpu.memory_space<semaphore_mem>>)
      %dma_wait3A_113 = arith.constant 0 : i32
      %dma_wait3A_114 = tpu.memref_slice %arg4[%add3A_84, %dma_wait3A_113] : memref<36864x768xf32, #tpu.memory_space<hbm>> -> memref<128x768xf32, #tpu.memory_space<hbm>>
      %dma_wait3A_115 = arith.constant 0 : i32
      %dma_wait3A_116 = tpu.memref_slice %arg4[%add3A_84, %dma_wait3A_115] : memref<36864x768xf32, #tpu.memory_space<hbm>> -> memref<128x768xf32, #tpu.memory_space<hbm>>
      tpu.wait_dma2 semaphore(%run_scoped3A : memref<!tpu.dma_semaphore, #tpu.memory_space<semaphore_mem>>) src(%arg6 : memref<128x768xf32, #tpu.memory_space<vmem>>) dst(%dma_wait3A_116 : memref<128x768xf32, #tpu.memory_space<hbm>>)
      tpu.yield
    }) : () -> ()
    %dma_start3A_85 = arith.constant 896 : i32
    %dma_start3A_86 = tpu.memref_slice %arg5[%dma_start3A_85] : memref<1152xi32, #tpu.memory_space<vmem>> -> memref<128xi32, #tpu.memory_space<vmem>>
    %dma_start3A_87 = arith.constant 0 : i32
    %dma_start3A_88 = arith.constant 0 : i32
    %dma_start3A_89 = tpu.memref_slice %arg3[%dma_start3A_87, %dma_start3A_88] : memref<512x768xf32, #tpu.memory_space<hbm>> -> memref<512x768xf32, #tpu.memory_space<hbm>>
    tpu.enqueue_indirect_dma source(%dma_start3A_89 : memref<512x768xf32, #tpu.memory_space<hbm>>) target(%arg6 : memref<128x768xf32, #tpu.memory_space<vmem>>) offsets(%dma_start3A_86 : memref<128xi32, #tpu.memory_space<vmem>>) semaphore(%arg7 : memref<!tpu.dma_semaphore, #tpu.memory_space<semaphore_mem>>)
    %dma_wait3A_90 = arith.constant 896 : i32
    %dma_wait3A_91 = tpu.memref_slice %arg5[%dma_wait3A_90] : memref<1152xi32, #tpu.memory_space<vmem>> -> memref<128xi32, #tpu.memory_space<vmem>>
    %dma_wait3A_92 = arith.constant 0 : i32
    %dma_wait3A_93 = arith.constant 0 : i32
    %dma_wait3A_94 = tpu.memref_slice %arg3[%dma_wait3A_92, %dma_wait3A_93] : memref<512x768xf32, #tpu.memory_space<hbm>> -> memref<512x768xf32, #tpu.memory_space<hbm>>
    tpu.wait_indirect_dma semaphore(%arg7 : memref<!tpu.dma_semaphore, #tpu.memory_space<semaphore_mem>>) src(%dma_wait3A_94 : memref<512x768xf32, #tpu.memory_space<hbm>>) dst(%arg6 : memref<128x768xf32, #tpu.memory_space<vmem>>)
    %add3A_95 = arith.constant 896 : i32
    %add3A_96 = arith.addi %mul3A_2, %add3A_95 : i32
    "tpu.region"() ({
      %run_scoped3A = tpu.sem_alloc : memref<!tpu.dma_semaphore, #tpu.memory_space<semaphore_mem>>
      %dma_start3A_109 = arith.constant 0 : i32
      %dma_start3A_110 = tpu.memref_slice %arg4[%add3A_96, %dma_start3A_109] : memref<36864x768xf32, #tpu.memory_space<hbm>> -> memref<128x768xf32, #tpu.memory_space<hbm>>
      %dma_start3A_111 = arith.constant 0 : i32
      %dma_start3A_112 = tpu.memref_slice %arg4[%add3A_96, %dma_start3A_111] : memref<36864x768xf32, #tpu.memory_space<hbm>> -> memref<128x768xf32, #tpu.memory_space<hbm>>
      tpu.enqueue_dma source(%arg6 : memref<128x768xf32, #tpu.memory_space<vmem>>) target(%dma_start3A_112 : memref<128x768xf32, #tpu.memory_space<hbm>>) target_semaphore(%run_scoped3A : memref<!tpu.dma_semaphore, #tpu.memory_space<semaphore_mem>>)
      %dma_wait3A_113 = arith.constant 0 : i32
      %dma_wait3A_114 = tpu.memref_slice %arg4[%add3A_96, %dma_wait3A_113] : memref<36864x768xf32, #tpu.memory_space<hbm>> -> memref<128x768xf32, #tpu.memory_space<hbm>>
      %dma_wait3A_115 = arith.constant 0 : i32
      %dma_wait3A_116 = tpu.memref_slice %arg4[%add3A_96, %dma_wait3A_115] : memref<36864x768xf32, #tpu.memory_space<hbm>> -> memref<128x768xf32, #tpu.memory_space<hbm>>
      tpu.wait_dma2 semaphore(%run_scoped3A : memref<!tpu.dma_semaphore, #tpu.memory_space<semaphore_mem>>) src(%arg6 : memref<128x768xf32, #tpu.memory_space<vmem>>) dst(%dma_wait3A_116 : memref<128x768xf32, #tpu.memory_space<hbm>>)
      tpu.yield
    }) : () -> ()
    %dma_start3A_97 = arith.constant 1024 : i32
    %dma_start3A_98 = tpu.memref_slice %arg5[%dma_start3A_97] : memref<1152xi32, #tpu.memory_space<vmem>> -> memref<128xi32, #tpu.memory_space<vmem>>
    %dma_start3A_99 = arith.constant 0 : i32
    %dma_start3A_100 = arith.constant 0 : i32
    %dma_start3A_101 = tpu.memref_slice %arg3[%dma_start3A_99, %dma_start3A_100] : memref<512x768xf32, #tpu.memory_space<hbm>> -> memref<512x768xf32, #tpu.memory_space<hbm>>
    tpu.enqueue_indirect_dma source(%dma_start3A_101 : memref<512x768xf32, #tpu.memory_space<hbm>>) target(%arg6 : memref<128x768xf32, #tpu.memory_space<vmem>>) offsets(%dma_start3A_98 : memref<128xi32, #tpu.memory_space<vmem>>) semaphore(%arg7 : memref<!tpu.dma_semaphore, #tpu.memory_space<semaphore_mem>>)
    %dma_wait3A_102 = arith.constant 1024 : i32
    %dma_wait3A_103 = tpu.memref_slice %arg5[%dma_wait3A_102] : memref<1152xi32, #tpu.memory_space<vmem>> -> memref<128xi32, #tpu.memory_space<vmem>>
    %dma_wait3A_104 = arith.constant 0 : i32
    %dma_wait3A_105 = arith.constant 0 : i32
    %dma_wait3A_106 = tpu.memref_slice %arg3[%dma_wait3A_104, %dma_wait3A_105] : memref<512x768xf32, #tpu.memory_space<hbm>> -> memref<512x768xf32, #tpu.memory_space<hbm>>
    tpu.wait_indirect_dma semaphore(%arg7 : memref<!tpu.dma_semaphore, #tpu.memory_space<semaphore_mem>>) src(%dma_wait3A_106 : memref<512x768xf32, #tpu.memory_space<hbm>>) dst(%arg6 : memref<128x768xf32, #tpu.memory_space<vmem>>)
    %add3A_107 = arith.constant 1024 : i32
    %add3A_108 = arith.addi %mul3A_2, %add3A_107 : i32
    "tpu.region"() ({
      %run_scoped3A = tpu.sem_alloc : memref<!tpu.dma_semaphore, #tpu.memory_space<semaphore_mem>>
      %dma_start3A_109 = arith.constant 0 : i32
      %dma_start3A_110 = tpu.memref_slice %arg4[%add3A_108, %dma_start3A_109] : memref<36864x768xf32, #tpu.memory_space<hbm>> -> memref<128x768xf32, #tpu.memory_space<hbm>>
      %dma_start3A_111 = arith.constant 0 : i32
      %dma_start3A_112 = tpu.memref_slice %arg4[%add3A_108, %dma_start3A_111] : memref<36864x768xf32, #tpu.memory_space<hbm>> -> memref<128x768xf32, #tpu.memory_space<hbm>>
      tpu.enqueue_dma source(%arg6 : memref<128x768xf32, #tpu.memory_space<vmem>>) target(%dma_start3A_112 : memref<128x768xf32, #tpu.memory_space<hbm>>) target_semaphore(%run_scoped3A : memref<!tpu.dma_semaphore, #tpu.memory_space<semaphore_mem>>)
      %dma_wait3A_113 = arith.constant 0 : i32
      %dma_wait3A_114 = tpu.memref_slice %arg4[%add3A_108, %dma_wait3A_113] : memref<36864x768xf32, #tpu.memory_space<hbm>> -> memref<128x768xf32, #tpu.memory_space<hbm>>
      %dma_wait3A_115 = arith.constant 0 : i32
      %dma_wait3A_116 = tpu.memref_slice %arg4[%add3A_108, %dma_wait3A_115] : memref<36864x768xf32, #tpu.memory_space<hbm>> -> memref<128x768xf32, #tpu.memory_space<hbm>>
      tpu.wait_dma2 semaphore(%run_scoped3A : memref<!tpu.dma_semaphore, #tpu.memory_space<semaphore_mem>>) src(%arg6 : memref<128x768xf32, #tpu.memory_space<vmem>>) dst(%dma_wait3A_116 : memref<128x768xf32, #tpu.memory_space<hbm>>)
      tpu.yield
    }) : () -> ()
    return
  }
}

module attributes {stable_mosaic.version = 14 : i64} {
  func.func @_precompute_kernel(%arg0: memref<512x256xf32, #tpu.memory_space<vmem>>, %arg1: memref<256x512xf32, #tpu.memory_space<vmem>>, %arg2: memref<1x512xf32, #tpu.memory_space<vmem>>, %arg3: memref<512x768xf32, #tpu.memory_space<vmem>>, %arg4: memref<1x768xf32, #tpu.memory_space<vmem>>, %arg5: memref<512x768xf32, #tpu.memory_space<vmem>>, %arg6: memref<1x512xf32, #tpu.memory_space<vmem>>) attributes {dimension_semantics = [], scalar_prefetch = 0 : i64, scratch_operands = 0 : i64, tpu.core_type = #tpu.core_type<tc>} {
    %get3A = arith.constant 0 : index
    %get3A_0 = arith.constant 0 : index
    %get3A_1 = vector.load %arg0[%get3A, %get3A_0] : memref<512x256xf32, #tpu.memory_space<vmem>>, vector<512x256xf32>
    %get3A_2 = arith.constant 0 : index
    %get3A_3 = arith.constant 0 : index
    %get3A_4 = vector.load %arg1[%get3A_2, %get3A_3] : memref<256x512xf32, #tpu.memory_space<vmem>>, vector<256x512xf32>
    %dot_general3A = arith.constant dense<0.000000e+00> : vector<512x512xf32>
    %dot_general3A_5 = tpu.matmul %get3A_1, %get3A_4, %dot_general3A {dimension_numbers = #tpu.dot_dimension_numbers<[1], [0], [0], [1], [0, 0, 1, 1], [], []>, transpose_lhs_hint = false} : vector<512x256xf32>, vector<256x512xf32>, vector<512x512xf32> -> vector<512x512xf32>
    %get3A_6 = arith.constant 0 : index
    %get3A_7 = arith.constant 0 : index
    %get3A_8 = vector.load %arg2[%get3A_6, %get3A_7] : memref<1x512xf32, #tpu.memory_space<vmem>>, vector<1x512xf32>
    %add3A = vector.broadcast %get3A_8 : vector<1x512xf32> to vector<512x512xf32>
    %add3A_9 = arith.addf %dot_general3A_5, %add3A : vector<512x512xf32>
    %max3A = arith.constant 0.000000e+00 : f32
    %max3A_10 = vector.broadcast %max3A : f32 to vector<512x512xf32>
    %max3A_11 = arith.maximumf %add3A_9, %max3A_10 : vector<512x512xf32>
    %get3A_12 = arith.constant 0 : index
    %get3A_13 = arith.constant 0 : index
    %get3A_14 = vector.load %arg3[%get3A_12, %get3A_13] : memref<512x768xf32, #tpu.memory_space<vmem>>, vector<512x768xf32>
    %dot_general3A_15 = arith.constant dense<0.000000e+00> : vector<512x768xf32>
    %dot_general3A_16 = tpu.matmul %max3A_11, %get3A_14, %dot_general3A_15 {dimension_numbers = #tpu.dot_dimension_numbers<[1], [0], [0], [1], [0, 0, 1, 1], [], []>, transpose_lhs_hint = false} : vector<512x512xf32>, vector<512x768xf32>, vector<512x768xf32> -> vector<512x768xf32>
    %get3A_17 = arith.constant 0 : index
    %get3A_18 = arith.constant 0 : index
    %get3A_19 = vector.load %arg4[%get3A_17, %get3A_18] : memref<1x768xf32, #tpu.memory_space<vmem>>, vector<1x768xf32>
    %add3A_20 = vector.broadcast %get3A_19 : vector<1x768xf32> to vector<512x768xf32>
    %add3A_21 = arith.addf %dot_general3A_16, %add3A_20 : vector<512x768xf32>
    %swap3A = arith.constant 0 : index
    %swap3A_22 = arith.constant 0 : index
    %swap3A_23 = vector.load %arg5[%swap3A, %swap3A_22] : memref<512x768xf32, #tpu.memory_space<vmem>>, vector<512x768xf32>
    tpu.vector_store %arg5[%swap3A, %swap3A_22], %add3A_21 {strides = array<i32>} : memref<512x768xf32, #tpu.memory_space<vmem>>, vector<512x768xf32>,
    %get3A_24 = arith.constant 0 : index
    %get3A_25 = arith.constant 0 : index
    %get3A_26 = vector.load %arg0[%get3A_24, %get3A_25] : memref<512x256xf32, #tpu.memory_space<vmem>>, vector<512x256xf32>
    %get3A_27 = arith.constant 0 : index
    %get3A_28 = arith.constant 0 : index
    %get3A_29 = vector.load %arg0[%get3A_27, %get3A_28] : memref<512x256xf32, #tpu.memory_space<vmem>>, vector<512x256xf32>
    %mul3A = arith.mulf %get3A_26, %get3A_29 : vector<512x256xf32>
    %reduce_sum3A = arith.constant dense<0.000000e+00> : vector<512xf32>
    %reduce_sum3A_30 = vector.multi_reduction <add>, %mul3A, %reduce_sum3A [1] : vector<512x256xf32> to vector<512xf32>
    %broadcast_in_dim3A = vector.shape_cast %reduce_sum3A_30 : vector<512xf32> to vector<1x512xf32>
    %swap3A_31 = arith.constant 0 : index
    %swap3A_32 = arith.constant 0 : index
    %swap3A_33 = vector.load %arg6[%swap3A_31, %swap3A_32] : memref<1x512xf32, #tpu.memory_space<vmem>>, vector<1x512xf32>
    tpu.vector_store %arg6[%swap3A_31, %swap3A_32], %broadcast_in_dim3A {strides = array<i32>} : memref<1x512xf32, #tpu.memory_space<vmem>>, vector<1x512xf32>,
    return
  }
}

module attributes {stable_mosaic.version = 14 : i64} {
  func.func @_encode_kernel(%arg0: i32, %arg1: memref<2048x768xf32, #tpu.memory_space<vmem>>, %arg2: memref<768x512xf32, #tpu.memory_space<vmem>>, %arg3: memref<1x512xf32, #tpu.memory_space<vmem>>, %arg4: memref<512x256xf32, #tpu.memory_space<vmem>>, %arg5: memref<1x256xf32, #tpu.memory_space<vmem>>, %arg6: memref<512x256xf32, #tpu.memory_space<vmem>>, %arg7: memref<1x512xf32, #tpu.memory_space<vmem>>, %arg8: memref<2048x1xi32, #tpu.memory_space<vmem>>, %arg9: memref<1x1xf32, #tpu.memory_space<vmem>>) attributes {dimension_semantics = [#tpu.dimension_semantics<arbitrary>], iteration_bounds = array<i64: 18>, scalar_prefetch = 0 : i64, scratch_operands = 0 : i64, tpu.core_type = #tpu.core_type<tc>, window_params = [{transform_indices = @transform_0, window_bounds = array<i64: 2048, 768>}, {pipeline_mode = #tpu.pipeline_mode<synchronous>, transform_indices = @transform_1, window_bounds = array<i64: 768, 512>}, {pipeline_mode = #tpu.pipeline_mode<synchronous>, transform_indices = @transform_2, window_bounds = array<i64: 1, 512>}, {pipeline_mode = #tpu.pipeline_mode<synchronous>, transform_indices = @transform_3, window_bounds = array<i64: 512, 256>}, {pipeline_mode = #tpu.pipeline_mode<synchronous>, transform_indices = @transform_4, window_bounds = array<i64: 1, 256>}, {pipeline_mode = #tpu.pipeline_mode<synchronous>, transform_indices = @transform_5, window_bounds = array<i64: 512, 256>}, {pipeline_mode = #tpu.pipeline_mode<synchronous>, transform_indices = @transform_6, window_bounds = array<i64: 1, 512>}, {transform_indices = @transform_7, window_bounds = array<i64: 2048, 1>}, {pipeline_mode = #tpu.pipeline_mode<synchronous>, transform_indices = @transform_8, window_bounds = array<i64: 1, 1>}]} {
    %eq3A = arith.constant 0 : i32
    %eq3A_0 = arith.cmpi eq, %arg0, %eq3A : i32
    %convert_element_type3A = arith.extui %eq3A_0 : i1 to i32
    %cond3A = arith.constant 0 : i32
    %cond3A_1 = arith.cmpi ne, %convert_element_type3A, %cond3A : i32
    scf.if %cond3A_1 {
      %broadcast_in_dim3A_55 = arith.constant 0.000000e+00 : f32
      %broadcast_in_dim3A_56 = vector.broadcast %broadcast_in_dim3A_55 : f32 to vector<1x1xf32>
      %swap3A_57 = arith.constant 0 : index
      %swap3A_58 = arith.constant 0 : index
      %swap3A_59 = vector.load %arg9[%swap3A_57, %swap3A_58] : memref<1x1xf32, #tpu.memory_space<vmem>>, vector<1x1xf32>
      tpu.vector_store %arg9[%swap3A_57, %swap3A_58], %broadcast_in_dim3A_56 {strides = array<i32>} : memref<1x1xf32, #tpu.memory_space<vmem>>, vector<1x1xf32>,
    } else {
    }
    %get3A = arith.constant 0 : index
    %get3A_2 = arith.constant 0 : index
    %get3A_3 = vector.load %arg1[%get3A, %get3A_2] : memref<2048x768xf32, #tpu.memory_space<vmem>>, vector<2048x768xf32>
    %get3A_4 = arith.constant 0 : index
    %get3A_5 = arith.constant 0 : index
    %get3A_6 = vector.load %arg2[%get3A_4, %get3A_5] : memref<768x512xf32, #tpu.memory_space<vmem>>, vector<768x512xf32>
    %dot_general3A = arith.constant dense<0.000000e+00> : vector<2048x512xf32>
    %dot_general3A_7 = tpu.matmul %get3A_3, %get3A_6, %dot_general3A {dimension_numbers = #tpu.dot_dimension_numbers<[1], [0], [0], [1], [0, 0, 1, 1], [], []>, transpose_lhs_hint = false} : vector<2048x768xf32>, vector<768x512xf32>, vector<2048x512xf32> -> vector<2048x512xf32>
    %get3A_8 = arith.constant 0 : index
    %get3A_9 = arith.constant 0 : index
    %get3A_10 = vector.load %arg3[%get3A_8, %get3A_9] : memref<1x512xf32, #tpu.memory_space<vmem>>, vector<1x512xf32>
    %add3A = vector.broadcast %get3A_10 : vector<1x512xf32> to vector<2048x512xf32>
    %add3A_11 = arith.addf %dot_general3A_7, %add3A : vector<2048x512xf32>
    %max3A = arith.constant 0.000000e+00 : f32
    %max3A_12 = vector.broadcast %max3A : f32 to vector<2048x512xf32>
    %max3A_13 = arith.maximumf %add3A_11, %max3A_12 : vector<2048x512xf32>
    %get3A_14 = arith.constant 0 : index
    %get3A_15 = arith.constant 0 : index
    %get3A_16 = vector.load %arg4[%get3A_14, %get3A_15] : memref<512x256xf32, #tpu.memory_space<vmem>>, vector<512x256xf32>
    %dot_general3A_17 = arith.constant dense<0.000000e+00> : vector<2048x256xf32>
    %dot_general3A_18 = tpu.matmul %max3A_13, %get3A_16, %dot_general3A_17 {dimension_numbers = #tpu.dot_dimension_numbers<[1], [0], [0], [1], [0, 0, 1, 1], [], []>, transpose_lhs_hint = false} : vector<2048x512xf32>, vector<512x256xf32>, vector<2048x256xf32> -> vector<2048x256xf32>
    %get3A_19 = arith.constant 0 : index
    %get3A_20 = arith.constant 0 : index
    %get3A_21 = vector.load %arg5[%get3A_19, %get3A_20] : memref<1x256xf32, #tpu.memory_space<vmem>>, vector<1x256xf32>
    %add3A_22 = vector.broadcast %get3A_21 : vector<1x256xf32> to vector<2048x256xf32>
    %add3A_23 = arith.addf %dot_general3A_18, %add3A_22 : vector<2048x256xf32>
    %mul3A = arith.mulf %add3A_23, %add3A_23 : vector<2048x256xf32>
    %reduce_sum3A = arith.constant dense<0.000000e+00> : vector<2048xf32>
    %reduce_sum3A_24 = vector.multi_reduction <add>, %mul3A, %reduce_sum3A [1] : vector<2048x256xf32> to vector<2048xf32>
    %broadcast_in_dim3A = vector.shape_cast %reduce_sum3A_24 : vector<2048xf32> to vector<2048x1xf32>
    %get3A_25 = arith.constant 0 : index
    %get3A_26 = arith.constant 0 : index
    %get3A_27 = vector.load %arg6[%get3A_25, %get3A_26] : memref<512x256xf32, #tpu.memory_space<vmem>>, vector<512x256xf32>
    %dot_general3A_28 = arith.constant dense<0.000000e+00> : vector<2048x512xf32>
    %dot_general3A_29 = tpu.matmul %add3A_23, %get3A_27, %dot_general3A_28 {dimension_numbers = #tpu.dot_dimension_numbers<[1], [1], [0], [0], [0, 0, 1, 0], [], []>, transpose_lhs_hint = false} : vector<2048x256xf32>, vector<512x256xf32>, vector<2048x512xf32> -> vector<2048x512xf32>
    %mul3A_30 = arith.constant 2.000000e+00 : f32
    %mul3A_31 = vector.broadcast %mul3A_30 : f32 to vector<2048x512xf32>
    %mul3A_32 = arith.mulf %mul3A_31, %dot_general3A_29 : vector<2048x512xf32>
    %sub3A = vector.broadcast %broadcast_in_dim3A : vector<2048x1xf32> to vector<2048x512xf32>
    %sub3A_33 = arith.subf %sub3A, %mul3A_32 : vector<2048x512xf32>
    %get3A_34 = arith.constant 0 : index
    %get3A_35 = arith.constant 0 : index
    %get3A_36 = vector.load %arg7[%get3A_34, %get3A_35] : memref<1x512xf32, #tpu.memory_space<vmem>>, vector<1x512xf32>
    %add3A_37 = vector.broadcast %get3A_36 : vector<1x512xf32> to vector<2048x512xf32>
    %add3A_38 = arith.addf %sub3A_33, %add3A_37 : vector<2048x512xf32>
    %argmin3A = tpu.reduce_index %add3A_38 {axis = 1 : i32, kind = #tpu.reduction_kind<arg_min>} : vector<2048x512xf32> -> vector<2048xi32>
    %broadcast_in_dim3A_39 = vector.shape_cast %argmin3A : vector<2048xi32> to vector<2048x1xi32>
    %swap3A = arith.constant 0 : index
    %swap3A_40 = arith.constant 0 : index
    %swap3A_41 = vector.load %arg8[%swap3A, %swap3A_40] : memref<2048x1xi32, #tpu.memory_space<vmem>>, vector<2048x1xi32>
    tpu.vector_store %arg8[%swap3A, %swap3A_40], %broadcast_in_dim3A_39 {strides = array<i32>} : memref<2048x1xi32, #tpu.memory_space<vmem>>, vector<2048x1xi32>,
    %get3A_42 = arith.constant 0 : index
    %get3A_43 = arith.constant 0 : index
    %get3A_44 = vector.load %arg9[%get3A_42, %get3A_43] : memref<1x1xf32, #tpu.memory_space<vmem>>, vector<1x1xf32>
    %reduce_min3A = arith.constant dense<0x7F800000> : vector<2048xf32>
    %reduce_min3A_45 = vector.multi_reduction <minimumf>, %add3A_38, %reduce_min3A [1] : vector<2048x512xf32> to vector<2048xf32>
    %reduce_sum3A_46 = vector.shape_cast %reduce_min3A_45 : vector<2048xf32> to vector<1x2048xf32>
    %reduce_sum3A_47 = arith.constant dense<0.000000e+00> : vector<1xf32>
    %reduce_sum3A_48 = vector.multi_reduction <add>, %reduce_sum3A_46, %reduce_sum3A_47 [1] : vector<1x2048xf32> to vector<1xf32>
    %reduce_sum3A_49 = vector.shape_cast %reduce_sum3A_48 : vector<1xf32> to vector<1x1xf32>
    %reduce_sum3A_50 = vector.extract %reduce_sum3A_49[0, 0] : f32 from vector<1x1xf32>
    %reshape3A = vector.broadcast %reduce_sum3A_50 : f32 to vector<1x1xf32>
    %add3A_51 = arith.addf %get3A_44, %reshape3A : vector<1x1xf32>
    %swap3A_52 = arith.constant 0 : index
    %swap3A_53 = arith.constant 0 : index
    %swap3A_54 = vector.load %arg9[%swap3A_52, %swap3A_53] : memref<1x1xf32, #tpu.memory_space<vmem>>, vector<1x1xf32>
    tpu.vector_store %arg9[%swap3A_52, %swap3A_53], %add3A_51 {strides = array<i32>} : memref<1x1xf32, #tpu.memory_space<vmem>>, vector<1x1xf32>,
    return
  }
  func.func @transform_0(%arg0: i32) -> (i32, i32) {
    %c0_i32 = arith.constant 0 : i32
    %c0_i32_0 = arith.constant 0 : i32
    return %arg0, %c0_i32 : i32, i32
  }
  func.func @transform_1(%arg0: i32) -> (i32, i32) {
    %c0_i32 = arith.constant 0 : i32
    %c0_i32_0 = arith.constant 0 : i32
    %c0_i32_1 = arith.constant 0 : i32
    return %c0_i32, %c0_i32_0 : i32, i32
  }
  func.func @transform_2(%arg0: i32) -> (i32, i32) {
    %c0_i32 = arith.constant 0 : i32
    %c0_i32_0 = arith.constant 0 : i32
    %c0_i32_1 = arith.constant 0 : i32
    return %c0_i32, %c0_i32_0 : i32, i32
  }
  func.func @transform_3(%arg0: i32) -> (i32, i32) {
    %c0_i32 = arith.constant 0 : i32
    %c0_i32_0 = arith.constant 0 : i32
    %c0_i32_1 = arith.constant 0 : i32
    return %c0_i32, %c0_i32_0 : i32, i32
  }
  func.func @transform_4(%arg0: i32) -> (i32, i32) {
    %c0_i32 = arith.constant 0 : i32
    %c0_i32_0 = arith.constant 0 : i32
    %c0_i32_1 = arith.constant 0 : i32
    return %c0_i32, %c0_i32_0 : i32, i32
  }
  func.func @transform_5(%arg0: i32) -> (i32, i32) {
    %c0_i32 = arith.constant 0 : i32
    %c0_i32_0 = arith.constant 0 : i32
    %c0_i32_1 = arith.constant 0 : i32
    return %c0_i32, %c0_i32_0 : i32, i32
  }
  func.func @transform_6(%arg0: i32) -> (i32, i32) {
    %c0_i32 = arith.constant 0 : i32
    %c0_i32_0 = arith.constant 0 : i32
    %c0_i32_1 = arith.constant 0 : i32
    return %c0_i32, %c0_i32_0 : i32, i32
  }
  func.func @transform_7(%arg0: i32) -> (i32, i32) {
    %c0_i32 = arith.constant 0 : i32
    %c0_i32_0 = arith.constant 0 : i32
    return %arg0, %c0_i32 : i32, i32
  }
  func.func @transform_8(%arg0: i32) -> (i32, i32) {
    %c0_i32 = arith.constant 0 : i32
    %c0_i32_0 = arith.constant 0 : i32
    %c0_i32_1 = arith.constant 0 : i32
    return %c0_i32, %c0_i32_0 : i32, i32
  }
}

</mosaic_0001>

<sc_bundles>
// kernel: kernel.5.cloned.1.call-start
scs
__scs_entry_jumppad:
0x0: {  	(pc) =	sbr.rel $0x88, $3  }
0x1: {  	(tag) =	ssettag $0x0;
	lr =	simm.s32 $0x1  }
0x2: {  	[smem:$0x3F97] =	sst lr;
	_ =	strace $0xD0000000  }
0x3: {  	_ = 	snop  }
0x4: {  	_ = 	snop  }
0x5: {  	_ = 	snop  }
0x6: {  	_ = 	snop  }
0x7: {  	_ = 	snop  }
__scs_overlays_trampoline_lowered:
0x8: {  	[smem:$0x3FA6] =	sst s0  }
0x9: {  	[smem:$0x3FA7] =	sst s1  }
0xa: {  	[smem:$0x3FA8] =	sst s2  }
0xb: {  	[smem:$0x3FA9] =	sst s3  }
0xc: {  	[smem:$0x3FAA] =	sst s4  }
0xd: {  	[smem:$0x3FAB] =	sst s5  }
0xe: {  	[smem:$0x3FAC] =	sst s6  }
0xf: {  	[smem:$0x3FAD] =	sst s7  }
0x10: {  	[smem:$0x3FAE] =	sst s8  }
0x11: {  	[smem:$0x3FAF] =	sst s9;
	s0 =	simm.s32 @!p0 $0x0  }
0x12: {  	s1 =	sld [smem:$0x3F95];
	s0 =	simm.s32 @p0 $0x1  }
0x13: {  	[smem:$0x3FB0] =	sst s0;
	s0 =	simm.s32 @!p1 $0x0  }
0x14: {  	s2 =	sld [smem:$0x3F94];
	s0 =	simm.s32 @p1 $0x1  }
0x15: {  	[smem:$0x3FB1] =	sst s0;
	s0 =	simm.s32 @!p2 $0x0  }
0x16: {  	s3 =	sld [smem:$0x3FDB];
	s0 =	simm.s32 @p2 $0x1  }
0x17: {  	s4 =	simm.s32 $0x1BF5;
	[smem:$0x3FB3] =	sst s0  }
0x18: {  	s0 =	sld [smem:$0x3F96];
	_ =	swait.ge [sflag:s4], $0x0  }
0x19: {  	s7 =	sld [smem:$0x3F97]  }
0x1a: {  	s8 =	sadd.s32 $0xFFFFE003, lr  }
0x1b: {  	s9 =	sadd.s32 $0xFFFFFEF7, lr;
	s5 =	simm.s32 $0xFFFFFFFF;
	p2 =	slt.u32 s8, $0xFFFFF086  }
0x1c: {  	p1 =	slt.u32 s9, $0xF7A;
	s5 =	simm.s32 @!p2 $0x0  }
0x1d: {  	s5 =	simm.s32 @p1 $0x1;
	p0 =	seq.s32 s7, s2  }
0x1e: {  	s7 =	smul.u32 @!p0 $0xF7A, s2;
	p2 =	seq.s32 @!p0 s5, $0x0  }
0x1f: {  	s9 =	smul.u32 $0xF7A, s1;
	s8 =	simm.s32 @!p0 $0x1BF5;
	p2 =	por !p2, p0  }
0x20: {  	[sflag:s8] =	ssyncset.s32 @!p0 $0xFFFFF086;
	s6 =	sadd.s32 @!p0 s3, s7;
	s7 =	simm.s32 @!p0 $0x108  }
0x21: {  	s3 =	sadd.s32 s3, s9;
	s6 =	sadd.s32 @!p0 $0x88, s6;
	s7 =	simm.s32 @p2 $0x1082  }
0x22: {  	[simem:s7], [sflag:s8] =	dma.local @!p0 [hbm:s6], $0xF7A  }
0x23: {  	s9 =	sor.u32 $0xD0000000, s2;
	s6 =	simm.s32 $0x108;
	_ =	swait.ge @!p0 [sflag:s8], $0x0  }
0x24: {  	s3 =	sadd.s32 $0x88, s3;
	s6 =	simm.s32 @!p1 $0x1082;
	[sflag:s4] =	ssyncset.s32 $0xFFFFF086  }
0x25: {  	[simem:s6], [sflag:s4] =	dma.local [hbm:s3], $0xF7A  }
0x26: {  	[smem:$0x3F97] =	sst s1;
	(tag) =	ssettag s2;
	_ =	strace s9  }
0x27: {  	s1 =	sld [smem:$0x3FA7]  }
0x28: {  	s2 =	sld [smem:$0x3FA8]  }
0x29: {  	s4 =	sld [smem:$0x3FAA]  }
0x2a: {  	p0 =	seq.s32 s5, $0x0;
	s5 =	sld [smem:$0x3FAB]  }
0x2b: {  	s6 =	sld [smem:$0x3FAC]  }
0x2c: {  	s7 =	sld [smem:$0x3FAD]  }
0x2d: {  	s3 =	simm.s32 $0x108;
	s8 =	sld [smem:$0x3FAE]  }
0x2e: {  	s3 =	simm.s32 @!p0 $0x1082;
	s9 =	sld [smem:$0x3FAF]  }
0x2f: {  	lr =	sadd.s32 s0, s3;
	s0 =	sld [smem:$0x3FA6]  }
0x30: {  	s3 =	sld [smem:$0x3FA9]  }
0x31: {  	[smem:$0x3FB2] =	sst s10  }
0x32: {  	s10 =	sld [smem:$0x3FB0];
	_ =	sdelay $0x3  }
0x33: {  	p0 =	seq.s32 s10, $0x1;
	s10 =	sld [smem:$0x3FB2];
	_ =	sdelay $0x3  }
0x34: {  	[smem:$0x3FB2] =	sst s10  }
0x35: {  	s10 =	sld [smem:$0x3FB1];
	_ =	sdelay $0x3  }
0x36: {  	p1 =	seq.s32 s10, $0x1;
	s10 =	sld [smem:$0x3FB2];
	_ =	sdelay $0x3  }
0x37: {  	[smem:$0x3FB2] =	sst s10  }
0x38: {  	s10 =	sld [smem:$0x3FB3]  }
0x39: {  	_ = 	snop;
	(pc) =	sbr.ind lr, $3  }
0x3a: {  	_ = 	snop  }
0x3b: {  	_ = 	snop  }
0x3c: {  	p2 =	seq.s32 s10, $0x1;
	s10 =	sld [smem:$0x3FB2]  }
0x3d: {  	_ =	shalt  }
0x3e: {  	_ =	shalt  }
0x3f: {  	_ =	shalt  }
0x40: {  	_ =	shalt  }
0x41: {  	_ =	shalt  }
0x42: {  	_ =	shalt  }
0x43: {  	_ =	shalt  }
0x44: {  	_ =	shalt  }
0x45: {  	_ =	shalt  }
0x46: {  	_ =	shalt  }
0x47: {  	_ =	shalt  }
0x48: {  	_ =	shalt  }
0x49: {  	_ =	shalt  }
0x4a: {  	_ =	shalt  }
0x4b: {  	_ =	shalt  }
0x4c: {  	_ =	shalt  }
0x4d: {  	_ =	shalt  }
0x4e: {  	_ =	shalt  }
0x4f: {  	_ =	shalt  }
0x50: {  	_ =	shalt  }
0x51: {  	_ =	shalt  }
0x52: {  	_ =	shalt  }
0x53: {  	_ =	shalt  }
0x54: {  	_ =	shalt  }
0x55: {  	_ =	shalt  }
0x56: {  	_ =	shalt  }
0x57: {  	_ =	shalt  }
0x58: {  	_ =	shalt  }
0x59: {  	_ =	shalt  }
0x5a: {  	_ =	shalt  }
0x5b: {  	_ =	shalt  }
0x5c: {  	_ =	shalt  }
0x5d: {  	_ =	shalt  }
0x5e: {  	_ =	shalt  }
0x5f: {  	_ =	shalt  }
0x60: {  	_ =	shalt  }
0x61: {  	_ =	shalt  }
0x62: {  	_ =	shalt  }
0x63: {  	_ =	shalt  }
0x64: {  	_ =	shalt  }
0x65: {  	_ =	shalt  }
0x66: {  	_ =	shalt  }
0x67: {  	_ =	shalt  }
0x68: {  	_ =	shalt  }
0x69: {  	_ =	shalt  }
0x6a: {  	_ =	shalt  }
0x6b: {  	_ =	shalt  }
0x6c: {  	_ =	shalt  }
0x6d: {  	_ =	shalt  }
0x6e: {  	_ =	shalt  }
0x6f: {  	_ =	shalt  }
0x70: {  	_ =	shalt  }
0x71: {  	_ =	shalt  }
0x72: {  	_ =	shalt  }
0x73: {  	_ =	shalt  }
0x74: {  	_ =	shalt  }
0x75: {  	_ =	shalt  }
0x76: {  	_ =	shalt  }
0x77: {  	_ =	shalt  }
0x78: {  	_ =	shalt  }
0x79: {  	_ =	shalt  }
0x7a: {  	_ =	shalt  }
0x7b: {  	_ =	shalt  }
0x7c: {  	_ =	shalt  }
0x7d: {  	_ =	shalt  }
0x7e: {  	_ =	shalt  }
0x7f: {  	_ =	shalt  }
0x80: {  	_ =	shalt  }
0x81: {  	_ =	shalt  }
0x82: {  	_ =	shalt  }
0x83: {  	_ =	shalt  }
0x84: {  	_ =	shalt  }
0x85: {  	_ =	shalt  }
0x86: {  	_ =	shalt  }
0x87: {  	_ =	shalt  }
.Lfunc_end0:
.L_simem_size_0:
called_computation_lowered:
.L_overlay_start_0:
0x88: {  	s2 =	sld [smem:$0x3FD9]  }
0x89: {  	s3 =	sld [smem:$0x3FFE];
	_ =	sdelay $0x1  }
0x8a: {  	s1 =	srdreg.scid  }
0x8b: {  	s0 =	sand.u32 $0x1, s1  }
0x8c: {  	s14 =	sshll.u32 s0, $0xA;
	s2 =	sadd.s32 s3, s2  }
0x8d: {  	s2 =	sadd.s32 s2, s14  }
0x8e: {  	[smem:$0x3FBE] =	sst s2  }
0x8f: {  	_ = 	snop  }
0x90: {  	s2 =	sld [smem:$0x3FD0];
	_ =	sdelay $0x2  }
0x91: {  	s15 =	simm.s32 $0xA;
	s4 =	simm.s32 $0x10  }
0x92: {  	[smem:s4], [sflag:s15] =	dma.local [hbm:s2], $0x1  }
0x93: {  	_ =	swait.eq [sflag:s15], $0x1  }
0x94: {  	[sflag:s15] =	ssyncset.done $0x0  }
0x95: {  	[sflag:s15] =	ssyncadd.s32 $0xFFFFFFFF  }
0x96: {  	s16 =	sld [smem:$0x10];
	(tm) =	ssettm $0x1  }
0x97: {  	s17 =	sld [smem:$0x3FFB];
	_ =	sdelay $0x3  }
0x98: {  	_ =	strace s17  }
0x99: {  	s3 =	sld [smem:$0x3FFC];
	_ =	sdelay $0x3  }
0x9a: {  	_ =	strace s3  }
0x9b: {  	s3 =	sld [smem:$0x3FFD];
	_ =	sdelay $0x3  }
0x9c: {  	_ =	strace s3  }
0x9d: {  	_ =	strace $0x8FFFFFFF  }
0x9e: {  	s18 =	sld [smem:$0x3FDB];
	_ =	sdelay $0x1  }
0x9f: {  	s19 =	simm.s32 $_scs_section_size  }
0xa0: {  	s5 =	simm.s32 $_size__tile_overlayer_lowered;
	s6 =	simm.s32 $_tile_overlayer_lowered  }
0xa1: {  	s22 =	simm.s32 $0x1BFF;
	s21 =	sshll.u32 s6, $0x1;
	s3 =	sadd.s32 s19, s18  }
0xa2: {  	s7 =	simm.s32 $0x0;
	s20 =	sshll.u32 s5, $0x1;
	s5 =	sadd.s32 s21, s3  }
0xa3: {  	[timem:s7], [sflag:s22] =	dma.local [hbm:s5], s20  }
0xa4: {  	_ =	swait.ge [sflag:s22], s20  }
0xa5: {  	s4 =	ssub.s32 $0x0, s20;
	[sflag:s22] =	ssyncset.done $0x0  }
0xa6: {  	[sflag:s22] =	ssyncadd.s32 s4;
	_ =	sdelay $0x1  }
0xa7: {  	s23 =	simm.s32 $0x1B8B  }
0xa8: {  	_ =	swait.ge [sflag:s23], $0x1  }
0xa9: {  	[sflag:s23] =	ssyncset.done $0x0  }
0xaa: {  	s25 =	simm.s32 $0x1B8E;
	s24 =	sld [smem:$0x3FFE];
	[sflag:s23] =	ssyncadd.s32 $0xFFFFFFFF  }
0xab: {  	s26 =	simm.s32 $execute0_lowered;
	[smem:$0x3FD2] =	sst s25  }
0xac: {  	s5 =	sshll.u32 s26, $0x1;
	_ =	strace $0x80000046;
	[dreg:$0x1] =	wrdreg $0xFFFFFFFF  }
0xad: {  	s28 =	simm.s32 $_size_execute0_lowered;
	s3 =	sadd.s32 s3, s5;
	[dreg:$0x0] =	wrdreg $0x0  }
0xae: {  	s5 =	sshll.u32 s28, $0x1;
	[dreg:$0x2] =	wrdreg s3  }
0xaf: {  	[dreg:$0x3] =	wrdreg s5  }
0xb0: {  	[dreg:$0x4] =	wrdreg $0xC0  }
0xb1: {  	_ =	task [dreg:s7], $0x5FFFF  }
0xb2: {  	[dreg:$0x1] =	wrdreg $0xFFFFFFFF  }
0xb3: {  	[dreg:$0x0] =	wrdreg $0x60  }
0xb4: {  	[dreg:$0x2] =	wrdreg s24  }
0xb5: {  	[dreg:$0x3] =	wrdreg s16  }
0xb6: {  	[dreg:$0x4] =	wrdreg $0x9  }
0xb7: {  	_ =	task.clear_ibuf [dreg:s7], $0x5FFFF;
	_ =	strace $0x90000046  }
0xb8: {  	s29 =	simm.s32 $0x9;
	_ =	strace $0x80000048  }
0xb9: {  	_ =	swait.ge [sflag:s29], $0x1  }
0xba: {  	[sflag:s29] =	ssyncadd.s32 $0xFFFFFFFF  }
0xbb: {  	_ =	strace $0x90000048  }
0xbc: {  	_ =	sfence  }
0xbd: {  	s30 =	sld [smem:$0x0];
	_ =	sdelay $0x2  }
0xbe: {  	s31 =	sshll.u32 s1, $0xD;
	s1 =	sshrl.u32 s1, $0x2  }
0xbf: {  	s3 =	sand.u32 $0x4000, s31;
	s1 =	sadd.s32 s1, s30  }
0xc0: {  	s0 =	sor.u32 s3, s0;
	s1 =	sshll.u32 s1, $0x11  }
0xc1: {  	s0 =	sor.u32 s1, s0  }
0xc2: {  	s0 =	sadd.s32 $0x8F2B, s0  }
0xc3: {  	[sflag:s0] =	ssyncadd.remote.s32 $0x1  }
0xc4: {  	_ =	sfence.sel $0xFFFF  }
0xc5: {  	[dreg:$0x0] =	wrdreg $0xFFFFFFFF;
	(pc) =	sbr.abs _section_cstart, $3  }
0xc6: {  	[dreg:$0x1] =	wrdreg $0xFFFFFFFF  }
0xc7: {  	_ =	task.clear_ibuf [dreg:s7], $0x2FFFF;
	_ =	strace $0x9FFFFFFF  }
0xc8: {  	(tm) =	ssettm $0x7FFFFFFF  }
0xc9: {  	_ =	shalt  }
tec
execute0_lowered:
.L_overlay_start_1:
0x0: {  	(tag) =	ssettag $0x1  }
0x1: {  	s0 =	srdreg.scid;
	s1 =	stileid.u32  }
0x2: {  	s0 =	sand.u32 $0x1, s0;
	s1 =	sshll.u32 s1, $0x1  }
0x3: {  	s1 =	sor.u32 s0, s1  }
0x4: {  	s1 =	smul.u32 $0x480, s1  }
0x5: {  	s3 =	rddreg [dreg:$0x0]  }
0x6: {  	s4 =	rddreg [dreg:$0x1];
	s1 =	sshrl.u32 s1, $0x3  }
0x7: {  	s2 =	simm.s32 $0x0;
	s5 =	smul.u32 $0x300, s1;
	s1 =	sadd.s32 s1, s3  }
0x8: {  	[smem:$0x7FF] =	sst s2;
	s1 =	sadd.s32 $0xDA00, s1  }
0x9: {  	_ =	strace $0x80000047;
	s6 =	sadd.s32 s4, s5;
	[dreg:$0x3] =	wrdreg s1  }
0xa: {  	s8 =	simm.s32 $0x2;
	s22 =	sadd.s32 $0x3000, s6;
	[dreg:$0xc] =	wrdreg s6  }
0xb: {  	s15 =	simm.s32 $0x480;
	s23 =	sadd.s32 $0x6000, s6;
	[dreg:$0x4] =	wrdreg s22  }
0xc: {  	s0 =	ssub.s32 $0x2, s0;
	s24 =	sadd.s32 $0x9000, s6;
	[dreg:$0x5] =	wrdreg s23  }
0xd: {  	s29 =	sshrl.u32 s0, $0x1;
	s25 =	sadd.s32 $0xC000, s6;
	[dreg:$0x6] =	wrdreg s24  }
0xe: {  	s0 =	ssub.s32 s0, s29;
	s26 =	sadd.s32 $0xF000, s6;
	[dreg:$0x7] =	wrdreg s25  }
0xf: {  	s0 =	smax.u32 s0, $0x1;
	s28 =	sadd.s32 $0x12000, s6;
	[dreg:$0x8] =	wrdreg s26  }
0x10: {  	v2 =	vlaneseq.u32;
	s4 =	sadd.s32 $0x1A00, s3;
	s30 =	sadd.s32 $0x15000, s6;
	[dreg:$0x9] =	wrdreg s28  }
0x11: {  	vm0 =	vmmov $0xffff;
	v1 =	vshrl.u32 v2, $0x3;
	s5 =	sadd.s32 $0x1B00, s3;
	s31 =	sadd.s32 $0x18000, s6;
	[dreg:$0xa] =	wrdreg s30  }
0x12: {  	v0 =	vand.u32 $0x7, v2;
	v2 =	vor.u32 $0x8, v2;
	v1 =	vmul.u32 $0x8, v1;
	s6 =	sadd.s32 $0x1C00, s3;
	s3 =	simm.s32 $0x1;
	[dreg:$0xb] =	wrdreg s31  }
.LBB2_1:
0x13: {  	[dreg:$0xd] =	wrdreg s0  }
0x14: {  	s10 =	rddreg [dreg:$0x3]  }
0x15: {  	[tilespmem:s2], [sflag:$0x2] =	stream.linear.gather [hbm4b:s10+s2], $0x480, $0x38;
	[tilespmem:$0x18480] =	vst v63  }
0x16: {  	_ =	swait.ge [sflag:s8], $0x480  }
0x17: {  	[sflag:s8] =	ssyncset.done $0x0  }
0x18: {  	[sflag:s8] =	ssyncadd.s32 $0xFFFFFB80  }
0x19: {  	v3 =	vld [tilespmem:$0x0];
	_ =	sdelay $0x4  }
0x1a: {  	v4 =	vshrl.u32 v3, $0x3  }
0x1b: {  	v4 =	vmul.u32 $0x30, v4  }
0x1c: {  	v3 =	vand.u32 $0x7, v3  }
0x1d: {  	v3 =	vor.u32 v3, v4  }
0x1e: {  	v4 =	vperm.xlane v3, v0;
	_ =	sdelay $0x1  }
0x1f: {  	v4 =	vadd.s32 v1, v4;
	_ =	sdelay $0x3  }
0x20: {  	v3 =	vperm.xlane v3, v2  }
0x21: {  	[tilespmem:s15], [sflag:$0x1] =	stream.indirect_vreg.gather [hbm4b:s4+s2], $0x80, v4, vm0, $0xb8;
	[tilespmem:$0x18480] =	vst v63  }
0x22: {  	s9 =	simm.s32 $0xC80;
	v3 =	vadd.s32 v1, v3  }
0x23: {  	[tilespmem:s9], [sflag:$0x1] =	stream.indirect_vreg.gather [hbm4b:s5+s2], $0x80, v4, vm0, $0xb8;
	[tilespmem:$0x18480] =	vst v63  }
0x24: {  	s10 =	simm.s32 $0x1480  }
0x25: {  	[tilespmem:s10], [sflag:$0x1] =	stream.indirect_vreg.gather [hbm4b:s6+s2], $0x80, v4, vm0, $0xb8;
	[tilespmem:$0x18480] =	vst v63  }
0x26: {  	s11 =	simm.s32 $0x1C80  }
0x27: {  	[tilespmem:s11], [sflag:$0x1] =	stream.indirect_vreg.gather [hbm4b:s4+s2], $0x80, v3, vm0, $0xb8;
	[tilespmem:$0x18480] =	vst v63  }
0x28: {  	s12 =	simm.s32 $0x2480  }
0x29: {  	[tilespmem:s12], [sflag:$0x1] =	stream.indirect_vreg.gather [hbm4b:s5+s2], $0x80, v3, vm0, $0xb8;
	[tilespmem:$0x18480] =	vst v63  }
0x2a: {  	s13 =	simm.s32 $0x2C80  }
0x2b: {  	[tilespmem:s13], [sflag:$0x1] =	stream.indirect_vreg.gather [hbm4b:s6+s2], $0x80, v3, vm0, $0xb8;
	[tilespmem:$0x18480] =	vst v63  }
0x2c: {  	v3 =	vld [tilespmem:$0x10];
	_ =	sdelay $0x4  }
0x2d: {  	v49 =	vshrl.u32 v3, $0x3  }
0x2e: {  	v4 =	vmul.u32 $0x30, v49  }
0x2f: {  	v3 =	vand.u32 $0x7, v3  }
0x30: {  	v3 =	vor.u32 v3, v4  }
0x31: {  	v4 =	vperm.xlane v3, v0;
	_ =	sdelay $0x1  }
0x32: {  	v4 =	vadd.s32 v1, v4;
	_ =	sdelay $0x3  }
0x33: {  	s14 =	simm.s32 $0x3480;
	v3 =	vperm.xlane v3, v2  }
0x34: {  	[tilespmem:s14], [sflag:$0x1] =	stream.indirect_vreg.gather [hbm4b:s4+s2], $0x80, v4, vm0, $0xb8;
	[tilespmem:$0x18480] =	vst v63  }
0x35: {  	s16 =	simm.s32 $0x3C80;
	v3 =	vadd.s32 v1, v3  }
0x36: {  	[tilespmem:s16], [sflag:$0x1] =	stream.indirect_vreg.gather [hbm4b:s5+s2], $0x80, v4, vm0, $0xb8;
	[tilespmem:$0x18480] =	vst v63  }
0x37: {  	s17 =	simm.s32 $0x4480  }
0x38: {  	[tilespmem:s17], [sflag:$0x1] =	stream.indirect_vreg.gather [hbm4b:s6+s2], $0x80, v4, vm0, $0xb8;
	[tilespmem:$0x18480] =	vst v63  }
0x39: {  	s18 =	simm.s32 $0x4C80  }
0x3a: {  	[tilespmem:s18], [sflag:$0x1] =	stream.indirect_vreg.gather [hbm4b:s4+s2], $0x80, v3, vm0, $0xb8;
	[tilespmem:$0x18480] =	vst v63  }
0x3b: {  	s19 =	simm.s32 $0x5480  }
0x3c: {  	[tilespmem:s19], [sflag:$0x1] =	stream.indirect_vreg.gather [hbm4b:s5+s2], $0x80, v3, vm0, $0xb8;
	[tilespmem:$0x18480] =	vst v63  }
0x3d: {  	s20 =	simm.s32 $0x5C80  }
0x3e: {  	[tilespmem:s20], [sflag:$0x1] =	stream.indirect_vreg.gather [hbm4b:s6+s2], $0x80, v3, vm0, $0xb8;
	[tilespmem:$0x18480] =	vst v63  }
0x3f: {  	v3 =	vld [tilespmem:$0x20];
	_ =	sdelay $0x4  }
0x40: {  	v50 =	vshrl.u32 v3, $0x3  }
0x41: {  	v4 =	vmul.u32 $0x30, v50  }
0x42: {  	v3 =	vand.u32 $0x7, v3  }
0x43: {  	v3 =	vor.u32 v3, v4  }
0x44: {  	v4 =	vperm.xlane v3, v0;
	_ =	sdelay $0x1  }
0x45: {  	v4 =	vadd.s32 v1, v4;
	_ =	sdelay $0x3  }
0x46: {  	s21 =	simm.s32 $0x6480;
	v3 =	vperm.xlane v3, v2  }
0x47: {  	[tilespmem:s21], [sflag:$0x1] =	stream.indirect_vreg.gather [hbm4b:s4+s2], $0x80, v4, vm0, $0xb8;
	[tilespmem:$0x18480] =	vst v63  }
0x48: {  	s22 =	simm.s32 $0x6C80;
	v3 =	vadd.s32 v1, v3  }
0x49: {  	[tilespmem:s22], [sflag:$0x1] =	stream.indirect_vreg.gather [hbm4b:s5+s2], $0x80, v4, vm0, $0xb8;
	[tilespmem:$0x18480] =	vst v63  }
0x4a: {  	s23 =	simm.s32 $0x7480  }
0x4b: {  	[tilespmem:s23], [sflag:$0x1] =	stream.indirect_vreg.gather [hbm4b:s6+s2], $0x80, v4, vm0, $0xb8;
	[tilespmem:$0x18480] =	vst v63  }
0x4c: {  	s24 =	simm.s32 $0x7C80  }
0x4d: {  	[tilespmem:s24], [sflag:$0x1] =	stream.indirect_vreg.gather [hbm4b:s4+s2], $0x80, v3, vm0, $0xb8;
	[tilespmem:$0x18480] =	vst v63  }
0x4e: {  	s26 =	simm.s32 $0x8480  }
0x4f: {  	[tilespmem:s26], [sflag:$0x1] =	stream.indirect_vreg.gather [hbm4b:s5+s2], $0x80, v3, vm0, $0xb8;
	[tilespmem:$0x18480] =	vst v63  }
0x50: {  	s28 =	simm.s32 $0x8C80  }
0x51: {  	[tilespmem:s28], [sflag:$0x1] =	stream.indirect_vreg.gather [hbm4b:s6+s2], $0x80, v3, vm0, $0xb8;
	[tilespmem:$0x18480] =	vst v63  }
0x52: {  	v3 =	vld [tilespmem:$0x30];
	_ =	sdelay $0x4  }
0x53: {  	v51 =	vshrl.u32 v3, $0x3  }
0x54: {  	v4 =	vmul.u32 $0x30, v51  }
0x55: {  	v3 =	vand.u32 $0x7, v3  }
0x56: {  	v3 =	vor.u32 v3, v4  }
0x57: {  	v4 =	vperm.xlane v3, v0;
	_ =	sdelay $0x1  }
0x58: {  	v4 =	vadd.s32 v1, v4;
	_ =	sdelay $0x3  }
0x59: {  	s29 =	simm.s32 $0x9480;
	v3 =	vperm.xlane v3, v2  }
0x5a: {  	[tilespmem:s29], [sflag:$0x1] =	stream.indirect_vreg.gather [hbm4b:s4+s2], $0x80, v4, vm0, $0xb8;
	[tilespmem:$0x18480] =	vst v63  }
0x5b: {  	s30 =	simm.s32 $0x9C80;
	v3 =	vadd.s32 v1, v3  }
0x5c: {  	[tilespmem:s30], [sflag:$0x1] =	stream.indirect_vreg.gather [hbm4b:s5+s2], $0x80, v4, vm0, $0xb8;
	[tilespmem:$0x18480] =	vst v63  }
0x5d: {  	s31 =	simm.s32 $0xA480  }
0x5e: {  	[tilespmem:s31], [sflag:$0x1] =	stream.indirect_vreg.gather [hbm4b:s6+s2], $0x80, v4, vm0, $0xb8;
	[tilespmem:$0x18480] =	vst v63  }
0x5f: {  	s10 =	simm.s32 $0xAC80  }
0x60: {  	[tilespmem:s10], [sflag:$0x1] =	stream.indirect_vreg.gather [hbm4b:s4+s2], $0x80, v3, vm0, $0xb8;
	[tilespmem:$0x18480] =	vst v63  }
0x61: {  	s12 =	simm.s32 $0xB480  }
0x62: {  	[tilespmem:s12], [sflag:$0x1] =	stream.indirect_vreg.gather [hbm4b:s5+s2], $0x80, v3, vm0, $0xb8;
	[tilespmem:$0x18480] =	vst v63  }
0x63: {  	s16 =	simm.s32 $0xBC80  }
0x64: {  	[tilespmem:s16], [sflag:$0x1] =	stream.indirect_vreg.gather [hbm4b:s6+s2], $0x80, v3, vm0, $0xb8;
	[tilespmem:$0x18480] =	vst v63  }
0x65: {  	v3 =	vld [tilespmem:$0x40];
	_ =	sdelay $0x4  }
0x66: {  	v52 =	vshrl.u32 v3, $0x3  }
0x67: {  	v4 =	vmul.u32 $0x30, v52  }
0x68: {  	v3 =	vand.u32 $0x7, v3  }
0x69: {  	v3 =	vor.u32 v3, v4  }
0x6a: {  	v4 =	vperm.xlane v3, v0;
	_ =	sdelay $0x1  }
0x6b: {  	v4 =	vadd.s32 v1, v4;
	_ =	sdelay $0x3  }
0x6c: {  	s17 =	simm.s32 $0xC480;
	v3 =	vperm.xlane v3, v2  }
0x6d: {  	[tilespmem:s17], [sflag:$0x1] =	stream.indirect_vreg.gather [hbm4b:s4+s2], $0x80, v4, vm0, $0xb8;
	[tilespmem:$0x18480] =	vst v63  }
0x6e: {  	s18 =	simm.s32 $0xCC80;
	v3 =	vadd.s32 v1, v3  }
0x6f: {  	[tilespmem:s18], [sflag:$0x1] =	stream.indirect_vreg.gather [hbm4b:s5+s2], $0x80, v4, vm0, $0xb8;
	[tilespmem:$0x18480] =	vst v63  }
0x70: {  	s19 =	simm.s32 $0xD480  }
0x71: {  	[tilespmem:s19], [sflag:$0x1] =	stream.indirect_vreg.gather [hbm4b:s6+s2], $0x80, v4, vm0, $0xb8;
	[tilespmem:$0x18480] =	vst v63  }
0x72: {  	s20 =	simm.s32 $0xDC80  }
0x73: {  	[tilespmem:s20], [sflag:$0x1] =	stream.indirect_vreg.gather [hbm4b:s4+s2], $0x80, v3, vm0, $0xb8;
	[tilespmem:$0x18480] =	vst v63  }
0x74: {  	s21 =	simm.s32 $0xE480  }
0x75: {  	[tilespmem:s21], [sflag:$0x1] =	stream.indirect_vreg.gather [hbm4b:s5+s2], $0x80, v3, vm0, $0xb8;
	[tilespmem:$0x18480] =	vst v63  }
0x76: {  	s22 =	simm.s32 $0xEC80  }
0x77: {  	[tilespmem:s22], [sflag:$0x1] =	stream.indirect_vreg.gather [hbm4b:s6+s2], $0x80, v3, vm0, $0xb8;
	[tilespmem:$0x18480] =	vst v63  }
0x78: {  	v3 =	vld [tilespmem:$0x50];
	_ =	sdelay $0x4  }
0x79: {  	v53 =	vshrl.u32 v3, $0x3  }
0x7a: {  	v4 =	vmul.u32 $0x30, v53  }
0x7b: {  	v3 =	vand.u32 $0x7, v3  }
0x7c: {  	v3 =	vor.u32 v3, v4  }
0x7d: {  	v4 =	vperm.xlane v3, v0;
	_ =	sdelay $0x1  }
0x7e: {  	v4 =	vadd.s32 v1, v4;
	_ =	sdelay $0x3  }
0x7f: {  	s23 =	simm.s32 $0xF480;
	v3 =	vperm.xlane v3, v2  }
0x80: {  	[tilespmem:s23], [sflag:$0x1] =	stream.indirect_vreg.gather [hbm4b:s4+s2], $0x80, v4, vm0, $0xb8;
	[tilespmem:$0x18480] =	vst v63  }
0x81: {  	s24 =	simm.s32 $0xFC80;
	v3 =	vadd.s32 v1, v3  }
0x82: {  	[tilespmem:s24], [sflag:$0x1] =	stream.indirect_vreg.gather [hbm4b:s5+s2], $0x80, v4, vm0, $0xb8;
	[tilespmem:$0x18480] =	vst v63  }
0x83: {  	s26 =	simm.s32 $0x10480  }
0x84: {  	[tilespmem:s26], [sflag:$0x1] =	stream.indirect_vreg.gather [hbm4b:s6+s2], $0x80, v4, vm0, $0xb8;
	[tilespmem:$0x18480] =	vst v63  }
0x85: {  	s28 =	simm.s32 $0x10C80  }
0x86: {  	[tilespmem:s28], [sflag:$0x1] =	stream.indirect_vreg.gather [hbm4b:s4+s2], $0x80, v3, vm0, $0xb8;
	[tilespmem:$0x18480] =	vst v63  }
0x87: {  	s29 =	simm.s32 $0x11480  }
0x88: {  	[tilespmem:s29], [sflag:$0x1] =	stream.indirect_vreg.gather [hbm4b:s5+s2], $0x80, v3, vm0, $0xb8;
	[tilespmem:$0x18480] =	vst v63  }
0x89: {  	s30 =	simm.s32 $0x11C80  }
0x8a: {  	[tilespmem:s30], [sflag:$0x1] =	stream.indirect_vreg.gather [hbm4b:s6+s2], $0x80, v3, vm0, $0xb8;
	[tilespmem:$0x18480] =	vst v63  }
0x8b: {  	v3 =	vld [tilespmem:$0x60];
	_ =	sdelay $0x4  }
0x8c: {  	v54 =	vshrl.u32 v3, $0x3  }
0x8d: {  	v4 =	vmul.u32 $0x30, v54  }
0x8e: {  	v3 =	vand.u32 $0x7, v3  }
0x8f: {  	v3 =	vor.u32 v3, v4  }
0x90: {  	v4 =	vperm.xlane v3, v0;
	_ =	sdelay $0x1  }
0x91: {  	v4 =	vadd.s32 v1, v4;
	_ =	sdelay $0x3  }
0x92: {  	s31 =	simm.s32 $0x12480;
	v3 =	vperm.xlane v3, v2  }
0x93: {  	[tilespmem:s31], [sflag:$0x1] =	stream.indirect_vreg.gather [hbm4b:s4+s2], $0x80, v4, vm0, $0xb8;
	[tilespmem:$0x18480] =	vst v63  }
0x94: {  	s0 =	simm.s32 $0x12C80;
	v3 =	vadd.s32 v1, v3  }
0x95: {  	[tilespmem:s0], [sflag:$0x1] =	stream.indirect_vreg.gather [hbm4b:s5+s2], $0x80, v4, vm0, $0xb8;
	[tilespmem:$0x18480] =	vst v63  }
0x96: {  	s12 =	simm.s32 $0x13480  }
0x97: {  	[tilespmem:s12], [sflag:$0x1] =	stream.indirect_vreg.gather [hbm4b:s6+s2], $0x80, v4, vm0, $0xb8;
	[tilespmem:$0x18480] =	vst v63  }
0x98: {  	s22 =	simm.s32 $0x13C80  }
0x99: {  	[tilespmem:s22], [sflag:$0x1] =	stream.indirect_vreg.gather [hbm4b:s4+s2], $0x80, v3, vm0, $0xb8;
	[tilespmem:$0x18480] =	vst v63  }
0x9a: {  	s23 =	simm.s32 $0x14480  }
0x9b: {  	[tilespmem:s23], [sflag:$0x1] =	stream.indirect_vreg.gather [hbm4b:s5+s2], $0x80, v3, vm0, $0xb8;
	[tilespmem:$0x18480] =	vst v63  }
0x9c: {  	s24 =	simm.s32 $0x14C80  }
0x9d: {  	[tilespmem:s24], [sflag:$0x1] =	stream.indirect_vreg.gather [hbm4b:s6+s2], $0x80, v3, vm0, $0xb8;
	[tilespmem:$0x18480] =	vst v63  }
0x9e: {  	v3 =	vld [tilespmem:$0x70];
	_ =	sdelay $0x4  }
0x9f: {  	v55 =	vshrl.u32 v3, $0x3  }
0xa0: {  	v4 =	vmul.u32 $0x30, v55  }
0xa1: {  	v3 =	vand.u32 $0x7, v3  }
0xa2: {  	v3 =	vor.u32 v3, v4  }
0xa3: {  	v4 =	vperm.xlane v3, v0;
	_ =	sdelay $0x1  }
0xa4: {  	v4 =	vadd.s32 v1, v4;
	_ =	sdelay $0x3  }
0xa5: {  	s26 =	simm.s32 $0x15480;
	v3 =	vperm.xlane v3, v2  }
0xa6: {  	[tilespmem:s26], [sflag:$0x1] =	stream.indirect_vreg.gather [hbm4b:s4+s2], $0x80, v4, vm0, $0xb8;
	[tilespmem:$0x18480] =	vst v63  }
0xa7: {  	s28 =	simm.s32 $0x15C80;
	v3 =	vadd.s32 v1, v3  }
0xa8: {  	[tilespmem:s28], [sflag:$0x1] =	stream.indirect_vreg.gather [hbm4b:s5+s2], $0x80, v4, vm0, $0xb8;
	[tilespmem:$0x18480] =	vst v63  }
0xa9: {  	s29 =	simm.s32 $0x16480  }
0xaa: {  	[tilespmem:s29], [sflag:$0x1] =	stream.indirect_vreg.gather [hbm4b:s6+s2], $0x80, v4, vm0, $0xb8;
	[tilespmem:$0x18480] =	vst v63  }
0xab: {  	s30 =	simm.s32 $0x16C80  }
0xac: {  	[tilespmem:s30], [sflag:$0x1] =	stream.indirect_vreg.gather [hbm4b:s4+s2], $0x80, v3, vm0, $0xb8;
	[tilespmem:$0x18480] =	vst v63  }
0xad: {  	s31 =	simm.s32 $0x17480  }
0xae: {  	[tilespmem:s31], [sflag:$0x1] =	stream.indirect_vreg.gather [hbm4b:s5+s2], $0x80, v3, vm0, $0xb8;
	[tilespmem:$0x18480] =	vst v63  }
0xaf: {  	s0 =	simm.s32 $0x17C80  }
0xb0: {  	[tilespmem:s0], [sflag:$0x1] =	stream.indirect_vreg.gather [hbm4b:s6+s2], $0x80, v3, vm0, $0xb8;
	[tilespmem:$0x18480] =	vst v63  }
0xb1: {  	_ =	swait.ge [sflag:s3], $0x18000  }
0xb2: {  	[sflag:s3] =	ssyncset.done $0x0  }
0xb3: {  	s12 =	rddreg [dreg:$0xc];
	[sflag:s3] =	ssyncadd.s32 $0xFFFE8000  }
0xb4: {  	[hbm4b:s12+s2] =	stream.linear.scatter [tilespmem:s15], [sflag:$0x2], $0x18000, $0x38;
	[tilespmem:$0x18480] =	vst v63  }
0xb5: {  	_ =	swait.ge [sflag:s8], $0x18000  }
0xb6: {  	[sflag:s8] =	ssyncset.done $0x0  }
0xb7: {  	[sflag:s8] =	ssyncadd.s32 $0xFFFE8000  }
0xb8: {  	v3 =	vld [tilespmem:$0x80];
	_ =	sdelay $0x4  }
0xb9: {  	v56 =	vshrl.u32 v3, $0x3  }
0xba: {  	v4 =	vmul.u32 $0x30, v56  }
0xbb: {  	v3 =	vand.u32 $0x7, v3  }
0xbc: {  	v3 =	vor.u32 v3, v4  }
0xbd: {  	v4 =	vperm.xlane v3, v0;
	_ =	sdelay $0x1  }
0xbe: {  	v4 =	vadd.s32 v1, v4;
	_ =	sdelay $0x3  }
0xbf: {  	v3 =	vperm.xlane v3, v2  }
0xc0: {  	[tilespmem:s15], [sflag:$0x1] =	stream.indirect_vreg.gather [hbm4b:s4+s2], $0x80, v4, vm0, $0xb8;
	[tilespmem:$0x18480] =	vst v63  }
0xc1: {  	s25 =	simm.s32 $0xC80;
	v3 =	vadd.s32 v1, v3  }
0xc2: {  	[tilespmem:s25], [sflag:$0x1] =	stream.indirect_vreg.gather [hbm4b:s5+s2], $0x80, v4, vm0, $0xb8;
	[tilespmem:$0x18480] =	vst v63  }
0xc3: {  	s26 =	simm.s32 $0x1480  }
0xc4: {  	[tilespmem:s26], [sflag:$0x1] =	stream.indirect_vreg.gather [hbm4b:s6+s2], $0x80, v4, vm0, $0xb8;
	[tilespmem:$0x18480] =	vst v63  }
0xc5: {  	s28 =	simm.s32 $0x1C80  }
0xc6: {  	[tilespmem:s28], [sflag:$0x1] =	stream.indirect_vreg.gather [hbm4b:s4+s2], $0x80, v3, vm0, $0xb8;
	[tilespmem:$0x18480] =	vst v63  }
0xc7: {  	s29 =	simm.s32 $0x2480  }
0xc8: {  	[tilespmem:s29], [sflag:$0x1] =	stream.indirect_vreg.gather [hbm4b:s5+s2], $0x80, v3, vm0, $0xb8;
	[tilespmem:$0x18480] =	vst v63  }
0xc9: {  	s1 =	simm.s32 $0x2C80  }
0xca: {  	[tilespmem:s1], [sflag:$0x1] =	stream.indirect_vreg.gather [hbm4b:s6+s2], $0x80, v3, vm0, $0xb8;
	[tilespmem:$0x18480] =	vst v63  }
0xcb: {  	v3 =	vld [tilespmem:$0x90];
	_ =	sdelay $0x4  }
0xcc: {  	v57 =	vshrl.u32 v3, $0x3  }
0xcd: {  	v4 =	vmul.u32 $0x30, v57  }
0xce: {  	v3 =	vand.u32 $0x7, v3  }
0xcf: {  	v3 =	vor.u32 v3, v4  }
0xd0: {  	v4 =	vperm.xlane v3, v0;
	_ =	sdelay $0x1  }
0xd1: {  	v4 =	vadd.s32 v1, v4;
	_ =	sdelay $0x3  }
0xd2: {  	s7 =	simm.s32 $0x3480;
	v3 =	vperm.xlane v3, v2  }
0xd3: {  	[tilespmem:s7], [sflag:$0x1] =	stream.indirect_vreg.gather [hbm4b:s4+s2], $0x80, v4, vm0, $0xb8;
	[tilespmem:$0x18480] =	vst v63  }
0xd4: {  	s30 =	simm.s32 $0x3C80;
	v3 =	vadd.s32 v1, v3  }
0xd5: {  	[tilespmem:s30], [sflag:$0x1] =	stream.indirect_vreg.gather [hbm4b:s5+s2], $0x80, v4, vm0, $0xb8;
	[tilespmem:$0x18480] =	vst v63  }
0xd6: {  	s31 =	simm.s32 $0x4480  }
0xd7: {  	[tilespmem:s31], [sflag:$0x1] =	stream.indirect_vreg.gather [hbm4b:s6+s2], $0x80, v4, vm0, $0xb8;
	[tilespmem:$0x18480] =	vst v63  }
0xd8: {  	s0 =	simm.s32 $0x4C80  }
0xd9: {  	[tilespmem:s0], [sflag:$0x1] =	stream.indirect_vreg.gather [hbm4b:s4+s2], $0x80, v3, vm0, $0xb8;
	[tilespmem:$0x18480] =	vst v63  }
0xda: {  	s1 =	simm.s32 $0x5480  }
0xdb: {  	[tilespmem:s1], [sflag:$0x1] =	stream.indirect_vreg.gather [hbm4b:s5+s2], $0x80, v3, vm0, $0xb8;
	[tilespmem:$0x18480] =	vst v63  }
0xdc: {  	s9 =	simm.s32 $0x5C80  }
0xdd: {  	[tilespmem:s9], [sflag:$0x1] =	stream.indirect_vreg.gather [hbm4b:s6+s2], $0x80, v3, vm0, $0xb8;
	[tilespmem:$0x18480] =	vst v63  }
0xde: {  	v3 =	vld [tilespmem:$0xA0];
	_ =	sdelay $0x4  }
0xdf: {  	v58 =	vshrl.u32 v3, $0x3  }
0xe0: {  	v4 =	vmul.u32 $0x30, v58  }
0xe1: {  	v3 =	vand.u32 $0x7, v3  }
0xe2: {  	v3 =	vor.u32 v3, v4  }
0xe3: {  	v4 =	vperm.xlane v3, v0;
	_ =	sdelay $0x1  }
0xe4: {  	v4 =	vadd.s32 v1, v4;
	_ =	sdelay $0x3  }
0xe5: {  	s11 =	simm.s32 $0x6480;
	v3 =	vperm.xlane v3, v2  }
0xe6: {  	[tilespmem:s11], [sflag:$0x1] =	stream.indirect_vreg.gather [hbm4b:s4+s2], $0x80, v4, vm0, $0xb8;
	[tilespmem:$0x18480] =	vst v63  }
0xe7: {  	s7 =	simm.s32 $0x6C80;
	v3 =	vadd.s32 v1, v3  }
0xe8: {  	[tilespmem:s7], [sflag:$0x1] =	stream.indirect_vreg.gather [hbm4b:s5+s2], $0x80, v4, vm0, $0xb8;
	[tilespmem:$0x18480] =	vst v63  }
0xe9: {  	s9 =	simm.s32 $0x7480  }
0xea: {  	[tilespmem:s9], [sflag:$0x1] =	stream.indirect_vreg.gather [hbm4b:s6+s2], $0x80, v4, vm0, $0xb8;
	[tilespmem:$0x18480] =	vst v63  }
0xeb: {  	s11 =	simm.s32 $0x7C80  }
0xec: {  	[tilespmem:s11], [sflag:$0x1] =	stream.indirect_vreg.gather [hbm4b:s4+s2], $0x80, v3, vm0, $0xb8;
	[tilespmem:$0x18480] =	vst v63  }
0xed: {  	s12 =	simm.s32 $0x8480  }
0xee: {  	[tilespmem:s12], [sflag:$0x1] =	stream.indirect_vreg.gather [hbm4b:s5+s2], $0x80, v3, vm0, $0xb8;
	[tilespmem:$0x18480] =	vst v63  }
0xef: {  	s13 =	simm.s32 $0x8C80  }
0xf0: {  	[tilespmem:s13], [sflag:$0x1] =	stream.indirect_vreg.gather [hbm4b:s6+s2], $0x80, v3, vm0, $0xb8;
	[tilespmem:$0x18480] =	vst v63  }
0xf1: {  	v3 =	vld [tilespmem:$0xB0];
	_ =	sdelay $0x4  }
0xf2: {  	v59 =	vshrl.u32 v3, $0x3  }
0xf3: {  	v4 =	vmul.u32 $0x30, v59  }
0xf4: {  	v3 =	vand.u32 $0x7, v3  }
0xf5: {  	v3 =	vor.u32 v3, v4  }
0xf6: {  	v4 =	vperm.xlane v3, v0;
	_ =	sdelay $0x1  }
0xf7: {  	v4 =	vadd.s32 v1, v4;
	_ =	sdelay $0x3  }
0xf8: {  	s14 =	simm.s32 $0x9480;
	v3 =	vperm.xlane v3, v2  }
0xf9: {  	[tilespmem:s14], [sflag:$0x1] =	stream.indirect_vreg.gather [hbm4b:s4+s2], $0x80, v4, vm0, $0xb8;
	[tilespmem:$0x18480] =	vst v63  }
0xfa: {  	s13 =	simm.s32 $0x9C80;
	v3 =	vadd.s32 v1, v3  }
0xfb: {  	[tilespmem:s13], [sflag:$0x1] =	stream.indirect_vreg.gather [hbm4b:s5+s2], $0x80, v4, vm0, $0xb8;
	[tilespmem:$0x18480] =	vst v63  }
0xfc: {  	s14 =	simm.s32 $0xA480  }
0xfd: {  	[tilespmem:s14], [sflag:$0x1] =	stream.indirect_vreg.gather [hbm4b:s6+s2], $0x80, v4, vm0, $0xb8;
	[tilespmem:$0x18480] =	vst v63  }
0xfe: {  	s25 =	simm.s32 $0xAC80  }
0xff: {  	[tilespmem:s25], [sflag:$0x1] =	stream.indirect_vreg.gather [hbm4b:s4+s2], $0x80, v3, vm0, $0xb8;
	[tilespmem:$0x18480] =	vst v63  }
0x100: {  	s10 =	simm.s32 $0xB480  }
0x101: {  	[tilespmem:s10], [sflag:$0x1] =	stream.indirect_vreg.gather [hbm4b:s5+s2], $0x80, v3, vm0, $0xb8;
	[tilespmem:$0x18480] =	vst v63  }
0x102: {  	s16 =	simm.s32 $0xBC80  }
0x103: {  	[tilespmem:s16], [sflag:$0x1] =	stream.indirect_vreg.gather [hbm4b:s6+s2], $0x80, v3, vm0, $0xb8;
	[tilespmem:$0x18480] =	vst v63  }
0x104: {  	v3 =	vld [tilespmem:$0xC0];
	_ =	sdelay $0x4  }
0x105: {  	v60 =	vshrl.u32 v3, $0x3  }
0x106: {  	v4 =	vmul.u32 $0x30, v60  }
0x107: {  	v3 =	vand.u32 $0x7, v3  }
0x108: {  	v3 =	vor.u32 v3, v4  }
0x109: {  	v4 =	vperm.xlane v3, v0;
	_ =	sdelay $0x1  }
0x10a: {  	v4 =	vadd.s32 v1, v4;
	_ =	sdelay $0x3  }
0x10b: {  	s17 =	simm.s32 $0xC480;
	v3 =	vperm.xlane v3, v2  }
0x10c: {  	[tilespmem:s17], [sflag:$0x1] =	stream.indirect_vreg.gather [hbm4b:s4+s2], $0x80, v4, vm0, $0xb8;
	[tilespmem:$0x18480] =	vst v63  }
0x10d: {  	s16 =	simm.s32 $0xCC80;
	v3 =	vadd.s32 v1, v3  }
0x10e: {  	[tilespmem:s16], [sflag:$0x1] =	stream.indirect_vreg.gather [hbm4b:s5+s2], $0x80, v4, vm0, $0xb8;
	[tilespmem:$0x18480] =	vst v63  }
0x10f: {  	s17 =	simm.s32 $0xD480  }
0x110: {  	[tilespmem:s17], [sflag:$0x1] =	stream.indirect_vreg.gather [hbm4b:s6+s2], $0x80, v4, vm0, $0xb8;
	[tilespmem:$0x18480] =	vst v63  }
0x111: {  	s10 =	simm.s32 $0xDC80  }
0x112: {  	[tilespmem:s10], [sflag:$0x1] =	stream.indirect_vreg.gather [hbm4b:s4+s2], $0x80, v3, vm0, $0xb8;
	[tilespmem:$0x18480] =	vst v63  }
0x113: {  	s10 =	simm.s32 $0xE480  }
0x114: {  	[tilespmem:s10], [sflag:$0x1] =	stream.indirect_vreg.gather [hbm4b:s5+s2], $0x80, v3, vm0, $0xb8;
	[tilespmem:$0x18480] =	vst v63  }
0x115: {  	s18 =	simm.s32 $0xEC80  }
0x116: {  	[tilespmem:s18], [sflag:$0x1] =	stream.indirect_vreg.gather [hbm4b:s6+s2], $0x80, v3, vm0, $0xb8;
	[tilespmem:$0x18480] =	vst v63  }
0x117: {  	v3 =	vld [tilespmem:$0xD0];
	_ =	sdelay $0x4  }
0x118: {  	v61 =	vshrl.u32 v3, $0x3  }
0x119: {  	v4 =	vmul.u32 $0x30, v61  }
0x11a: {  	v3 =	vand.u32 $0x7, v3  }
0x11b: {  	v3 =	vor.u32 v3, v4  }
0x11c: {  	v4 =	vperm.xlane v3, v0;
	_ =	sdelay $0x1  }
0x11d: {  	v4 =	vadd.s32 v1, v4;
	_ =	sdelay $0x3  }
0x11e: {  	s19 =	simm.s32 $0xF480;
	v3 =	vperm.xlane v3, v2  }
0x11f: {  	[tilespmem:s19], [sflag:$0x1] =	stream.indirect_vreg.gather [hbm4b:s4+s2], $0x80, v4, vm0, $0xb8;
	[tilespmem:$0x18480] =	vst v63  }
0x120: {  	s18 =	simm.s32 $0xFC80;
	v3 =	vadd.s32 v1, v3  }
0x121: {  	[tilespmem:s18], [sflag:$0x1] =	stream.indirect_vreg.gather [hbm4b:s5+s2], $0x80, v4, vm0, $0xb8;
	[tilespmem:$0x18480] =	vst v63  }
0x122: {  	s19 =	simm.s32 $0x10480  }
0x123: {  	[tilespmem:s19], [sflag:$0x1] =	stream.indirect_vreg.gather [hbm4b:s6+s2], $0x80, v4, vm0, $0xb8;
	[tilespmem:$0x18480] =	vst v63  }
0x124: {  	s10 =	simm.s32 $0x10C80  }
0x125: {  	[tilespmem:s10], [sflag:$0x1] =	stream.indirect_vreg.gather [hbm4b:s4+s2], $0x80, v3, vm0, $0xb8;
	[tilespmem:$0x18480] =	vst v63  }
0x126: {  	s10 =	simm.s32 $0x11480  }
0x127: {  	[tilespmem:s10], [sflag:$0x1] =	stream.indirect_vreg.gather [hbm4b:s5+s2], $0x80, v3, vm0, $0xb8;
	[tilespmem:$0x18480] =	vst v63  }
0x128: {  	s20 =	simm.s32 $0x11C80  }
0x129: {  	[tilespmem:s20], [sflag:$0x1] =	stream.indirect_vreg.gather [hbm4b:s6+s2], $0x80, v3, vm0, $0xb8;
	[tilespmem:$0x18480] =	vst v63  }
0x12a: {  	v3 =	vld [tilespmem:$0xE0];
	_ =	sdelay $0x4  }
0x12b: {  	v62 =	vshrl.u32 v3, $0x3  }
0x12c: {  	v4 =	vmul.u32 $0x30, v62  }
0x12d: {  	v3 =	vand.u32 $0x7, v3  }
0x12e: {  	v3 =	vor.u32 v3, v4  }
0x12f: {  	v4 =	vperm.xlane v3, v0;
	_ =	sdelay $0x1  }
0x130: {  	v4 =	vadd.s32 v1, v4;
	_ =	sdelay $0x3  }
0x131: {  	s21 =	simm.s32 $0x12480;
	v3 =	vperm.xlane v3, v2  }
0x132: {  	[tilespmem:s21], [sflag:$0x1] =	stream.indirect_vreg.gather [hbm4b:s4+s2], $0x80, v4, vm0, $0xb8;
	[tilespmem:$0x18480] =	vst v63  }
0x133: {  	s20 =	simm.s32 $0x12C80;
	v3 =	vadd.s32 v1, v3  }
0x134: {  	[tilespmem:s20], [sflag:$0x1] =	stream.indirect_vreg.gather [hbm4b:s5+s2], $0x80, v4, vm0, $0xb8;
	[tilespmem:$0x18480] =	vst v63  }
0x135: {  	s21 =	simm.s32 $0x13480  }
0x136: {  	[tilespmem:s21], [sflag:$0x1] =	stream.indirect_vreg.gather [hbm4b:s6+s2], $0x80, v4, vm0, $0xb8;
	[tilespmem:$0x18480] =	vst v63  }
0x137: {  	s10 =	simm.s32 $0x13C80  }
0x138: {  	[tilespmem:s10], [sflag:$0x1] =	stream.indirect_vreg.gather [hbm4b:s4+s2], $0x80, v3, vm0, $0xb8;
	[tilespmem:$0x18480] =	vst v63  }
0x139: {  	s10 =	simm.s32 $0x14480  }
0x13a: {  	[tilespmem:s10], [sflag:$0x1] =	stream.indirect_vreg.gather [hbm4b:s5+s2], $0x80, v3, vm0, $0xb8;
	[tilespmem:$0x18480] =	vst v63  }
0x13b: {  	s22 =	simm.s32 $0x14C80  }
0x13c: {  	[tilespmem:s22], [sflag:$0x1] =	stream.indirect_vreg.gather [hbm4b:s6+s2], $0x80, v3, vm0, $0xb8;
	[tilespmem:$0x18480] =	vst v63  }
0x13d: {  	v3 =	vld [tilespmem:$0xF0];
	_ =	sdelay $0x4  }
0x13e: {  	v63 =	vshrl.u32 v3, $0x3  }
0x13f: {  	v4 =	vmul.u32 $0x30, v63  }
0x140: {  	v3 =	vand.u32 $0x7, v3  }
0x141: {  	v3 =	vor.u32 v3, v4  }
0x142: {  	v4 =	vperm.xlane v3, v0;
	_ =	sdelay $0x1  }
0x143: {  	v4 =	vadd.s32 v1, v4;
	_ =	sdelay $0x3  }
0x144: {  	s23 =	simm.s32 $0x15480;
	v3 =	vperm.xlane v3, v2  }
0x145: {  	[tilespmem:s23], [sflag:$0x1] =	stream.indirect_vreg.gather [hbm4b:s4+s2], $0x80, v4, vm0, $0xb8;
	[tilespmem:$0x18480] =	vst v63  }
0x146: {  	s22 =	simm.s32 $0x15C80;
	v3 =	vadd.s32 v1, v3  }
0x147: {  	[tilespmem:s22], [sflag:$0x1] =	stream.indirect_vreg.gather [hbm4b:s5+s2], $0x80, v4, vm0, $0xb8;
	[tilespmem:$0x18480] =	vst v63  }
0x148: {  	s23 =	simm.s32 $0x16480  }
0x149: {  	[tilespmem:s23], [sflag:$0x1] =	stream.indirect_vreg.gather [hbm4b:s6+s2], $0x80, v4, vm0, $0xb8;
	[tilespmem:$0x18480] =	vst v63  }
0x14a: {  	s10 =	simm.s32 $0x16C80  }
0x14b: {  	[tilespmem:s10], [sflag:$0x1] =	stream.indirect_vreg.gather [hbm4b:s4+s2], $0x80, v3, vm0, $0xb8;
	[tilespmem:$0x18480] =	vst v63  }
0x14c: {  	s10 =	simm.s32 $0x17480  }
0x14d: {  	[tilespmem:s10], [sflag:$0x1] =	stream.indirect_vreg.gather [hbm4b:s5+s2], $0x80, v3, vm0, $0xb8;
	[tilespmem:$0x18480] =	vst v63  }
0x14e: {  	s24 =	simm.s32 $0x17C80  }
0x14f: {  	[tilespmem:s24], [sflag:$0x1] =	stream.indirect_vreg.gather [hbm4b:s6+s2], $0x80, v3, vm0, $0xb8;
	[tilespmem:$0x18480] =	vst v63  }
0x150: {  	_ =	swait.ge [sflag:s3], $0x18000  }
0x151: {  	[sflag:s3] =	ssyncset.done $0x0  }
0x152: {  	s10 =	rddreg [dreg:$0x4];
	[sflag:s3] =	ssyncadd.s32 $0xFFFE8000  }
0x153: {  	[hbm4b:s10+s2] =	stream.linear.scatter [tilespmem:s15], [sflag:$0x2], $0x18000, $0x38;
	[tilespmem:$0x18480] =	vst v63  }
0x154: {  	_ =	swait.ge [sflag:s8], $0x18000  }
0x155: {  	[sflag:s8] =	ssyncset.done $0x0  }
0x156: {  	[sflag:s8] =	ssyncadd.s32 $0xFFFE8000  }
0x157: {  	v3 =	vld [tilespmem:$0x100];
	_ =	sdelay $0x4  }
0x158: {  	v8 =	vshrl.u32 v3, $0x3  }
0x159: {  	v4 =	vmul.u32 $0x30, v8  }
0x15a: {  	v3 =	vand.u32 $0x7, v3  }
0x15b: {  	v3 =	vor.u32 v3, v4  }
0x15c: {  	v4 =	vperm.xlane v3, v0;
	_ =	sdelay $0x1  }
0x15d: {  	v4 =	vadd.s32 v1, v4;
	_ =	sdelay $0x3  }
0x15e: {  	v3 =	vperm.xlane v3, v2  }
0x15f: {  	[tilespmem:s15], [sflag:$0x1] =	stream.indirect_vreg.gather [hbm4b:s4+s2], $0x80, v4, vm0, $0xb8;
	[tilespmem:$0x18480] =	vst v63  }
0x160: {  	s10 =	simm.s32 $0xC80;
	v3 =	vadd.s32 v1, v3  }
0x161: {  	[tilespmem:s10], [sflag:$0x1] =	stream.indirect_vreg.gather [hbm4b:s5+s2], $0x80, v4, vm0, $0xb8;
	[tilespmem:$0x18480] =	vst v63  }
0x162: {  	_ = 	snop  }
0x163: {  	[tilespmem:s26], [sflag:$0x1] =	stream.indirect_vreg.gather [hbm4b:s6+s2], $0x80, v4, vm0, $0xb8;
	[tilespmem:$0x18480] =	vst v63  }
0x164: {  	_ = 	snop  }
0x165: {  	[tilespmem:s28], [sflag:$0x1] =	stream.indirect_vreg.gather [hbm4b:s4+s2], $0x80, v3, vm0, $0xb8;
	[tilespmem:$0x18480] =	vst v63  }
0x166: {  	_ = 	snop  }
0x167: {  	[tilespmem:s29], [sflag:$0x1] =	stream.indirect_vreg.gather [hbm4b:s5+s2], $0x80, v3, vm0, $0xb8;
	[tilespmem:$0x18480] =	vst v63  }
0x168: {  	s10 =	simm.s32 $0x2C80  }
0x169: {  	[tilespmem:s10], [sflag:$0x1] =	stream.indirect_vreg.gather [hbm4b:s6+s2], $0x80, v3, vm0, $0xb8;
	[tilespmem:$0x18480] =	vst v63  }
0x16a: {  	v3 =	vld [tilespmem:$0x110];
	_ =	sdelay $0x4  }
0x16b: {  	v9 =	vshrl.u32 v3, $0x3  }
0x16c: {  	v4 =	vmul.u32 $0x30, v9  }
0x16d: {  	v3 =	vand.u32 $0x7, v3  }
0x16e: {  	v3 =	vor.u32 v3, v4  }
0x16f: {  	v4 =	vperm.xlane v3, v0;
	_ =	sdelay $0x1  }
0x170: {  	v4 =	vadd.s32 v1, v4;
	_ =	sdelay $0x3  }
0x171: {  	s10 =	simm.s32 $0x3480;
	v3 =	vperm.xlane v3, v2  }
0x172: {  	[tilespmem:s10], [sflag:$0x1] =	stream.indirect_vreg.gather [hbm4b:s4+s2], $0x80, v4, vm0, $0xb8;
	[tilespmem:$0x18480] =	vst v63  }
0x173: {  	v3 =	vadd.s32 v1, v3  }
0x174: {  	[tilespmem:s30], [sflag:$0x1] =	stream.indirect_vreg.gather [hbm4b:s5+s2], $0x80, v4, vm0, $0xb8;
	[tilespmem:$0x18480] =	vst v63  }
0x175: {  	_ = 	snop  }
0x176: {  	[tilespmem:s31], [sflag:$0x1] =	stream.indirect_vreg.gather [hbm4b:s6+s2], $0x80, v4, vm0, $0xb8;
	[tilespmem:$0x18480] =	vst v63  }
0x177: {  	_ = 	snop  }
0x178: {  	[tilespmem:s0], [sflag:$0x1] =	stream.indirect_vreg.gather [hbm4b:s4+s2], $0x80, v3, vm0, $0xb8;
	[tilespmem:$0x18480] =	vst v63  }
0x179: {  	_ = 	snop  }
0x17a: {  	[tilespmem:s1], [sflag:$0x1] =	stream.indirect_vreg.gather [hbm4b:s5+s2], $0x80, v3, vm0, $0xb8;
	[tilespmem:$0x18480] =	vst v63  }
0x17b: {  	s10 =	simm.s32 $0x5C80  }
0x17c: {  	[tilespmem:s10], [sflag:$0x1] =	stream.indirect_vreg.gather [hbm4b:s6+s2], $0x80, v3, vm0, $0xb8;
	[tilespmem:$0x18480] =	vst v63  }
0x17d: {  	v3 =	vld [tilespmem:$0x120];
	_ =	sdelay $0x4  }
0x17e: {  	v10 =	vshrl.u32 v3, $0x3  }
0x17f: {  	v4 =	vmul.u32 $0x30, v10  }
0x180: {  	v3 =	vand.u32 $0x7, v3  }
0x181: {  	v3 =	vor.u32 v3, v4  }
0x182: {  	v4 =	vperm.xlane v3, v0;
	_ =	sdelay $0x1  }
0x183: {  	v4 =	vadd.s32 v1, v4;
	_ =	sdelay $0x3  }
0x184: {  	s10 =	simm.s32 $0x6480;
	v3 =	vperm.xlane v3, v2  }
0x185: {  	[tilespmem:s10], [sflag:$0x1] =	stream.indirect_vreg.gather [hbm4b:s4+s2], $0x80, v4, vm0, $0xb8;
	[tilespmem:$0x18480] =	vst v63  }
0x186: {  	v3 =	vadd.s32 v1, v3  }
0x187: {  	[tilespmem:s7], [sflag:$0x1] =	stream.indirect_vreg.gather [hbm4b:s5+s2], $0x80, v4, vm0, $0xb8;
	[tilespmem:$0x18480] =	vst v63  }
0x188: {  	_ = 	snop  }
0x189: {  	[tilespmem:s9], [sflag:$0x1] =	stream.indirect_vreg.gather [hbm4b:s6+s2], $0x80, v4, vm0, $0xb8;
	[tilespmem:$0x18480] =	vst v63  }
0x18a: {  	_ = 	snop  }
0x18b: {  	[tilespmem:s11], [sflag:$0x1] =	stream.indirect_vreg.gather [hbm4b:s4+s2], $0x80, v3, vm0, $0xb8;
	[tilespmem:$0x18480] =	vst v63  }
0x18c: {  	_ = 	snop  }
0x18d: {  	[tilespmem:s12], [sflag:$0x1] =	stream.indirect_vreg.gather [hbm4b:s5+s2], $0x80, v3, vm0, $0xb8;
	[tilespmem:$0x18480] =	vst v63  }
0x18e: {  	s10 =	simm.s32 $0x8C80  }
0x18f: {  	[tilespmem:s10], [sflag:$0x1] =	stream.indirect_vreg.gather [hbm4b:s6+s2], $0x80, v3, vm0, $0xb8;
	[tilespmem:$0x18480] =	vst v63  }
0x190: {  	v3 =	vld [tilespmem:$0x130];
	_ =	sdelay $0x4  }
0x191: {  	v11 =	vshrl.u32 v3, $0x3  }
0x192: {  	v4 =	vmul.u32 $0x30, v11  }
0x193: {  	v3 =	vand.u32 $0x7, v3  }
0x194: {  	v3 =	vor.u32 v3, v4  }
0x195: {  	v4 =	vperm.xlane v3, v0;
	_ =	sdelay $0x1  }
0x196: {  	v4 =	vadd.s32 v1, v4;
	_ =	sdelay $0x3  }
0x197: {  	s10 =	simm.s32 $0x9480;
	v3 =	vperm.xlane v3, v2  }
0x198: {  	[tilespmem:s10], [sflag:$0x1] =	stream.indirect_vreg.gather [hbm4b:s4+s2], $0x80, v4, vm0, $0xb8;
	[tilespmem:$0x18480] =	vst v63  }
0x199: {  	v3 =	vadd.s32 v1, v3  }
0x19a: {  	[tilespmem:s13], [sflag:$0x1] =	stream.indirect_vreg.gather [hbm4b:s5+s2], $0x80, v4, vm0, $0xb8;
	[tilespmem:$0x18480] =	vst v63  }
0x19b: {  	_ = 	snop  }
0x19c: {  	[tilespmem:s14], [sflag:$0x1] =	stream.indirect_vreg.gather [hbm4b:s6+s2], $0x80, v4, vm0, $0xb8;
	[tilespmem:$0x18480] =	vst v63  }
0x19d: {  	_ = 	snop  }
0x19e: {  	[tilespmem:s25], [sflag:$0x1] =	stream.indirect_vreg.gather [hbm4b:s4+s2], $0x80, v3, vm0, $0xb8;
	[tilespmem:$0x18480] =	vst v63  }
0x19f: {  	s25 =	simm.s32 $0xB480  }
0x1a0: {  	[tilespmem:s25], [sflag:$0x1] =	stream.indirect_vreg.gather [hbm4b:s5+s2], $0x80, v3, vm0, $0xb8;
	[tilespmem:$0x18480] =	vst v63  }
0x1a1: {  	s25 =	simm.s32 $0xBC80  }
0x1a2: {  	[tilespmem:s25], [sflag:$0x1] =	stream.indirect_vreg.gather [hbm4b:s6+s2], $0x80, v3, vm0, $0xb8;
	[tilespmem:$0x18480] =	vst v63  }
0x1a3: {  	v3 =	vld [tilespmem:$0x140];
	_ =	sdelay $0x4  }
0x1a4: {  	v12 =	vshrl.u32 v3, $0x3  }
0x1a5: {  	v4 =	vmul.u32 $0x30, v12  }
0x1a6: {  	v3 =	vand.u32 $0x7, v3  }
0x1a7: {  	v3 =	vor.u32 v3, v4  }
0x1a8: {  	v4 =	vperm.xlane v3, v0;
	_ =	sdelay $0x1  }
0x1a9: {  	v4 =	vadd.s32 v1, v4;
	_ =	sdelay $0x3  }
0x1aa: {  	s25 =	simm.s32 $0xC480;
	v3 =	vperm.xlane v3, v2  }
0x1ab: {  	[tilespmem:s25], [sflag:$0x1] =	stream.indirect_vreg.gather [hbm4b:s4+s2], $0x80, v4, vm0, $0xb8;
	[tilespmem:$0x18480] =	vst v63  }
0x1ac: {  	s16 =	simm.s32 $0xCC80;
	v3 =	vadd.s32 v1, v3  }
0x1ad: {  	[tilespmem:s16], [sflag:$0x1] =	stream.indirect_vreg.gather [hbm4b:s5+s2], $0x80, v4, vm0, $0xb8;
	[tilespmem:$0x18480] =	vst v63  }
0x1ae: {  	s17 =	simm.s32 $0xD480  }
0x1af: {  	[tilespmem:s17], [sflag:$0x1] =	stream.indirect_vreg.gather [hbm4b:s6+s2], $0x80, v4, vm0, $0xb8;
	[tilespmem:$0x18480] =	vst v63  }
0x1b0: {  	s25 =	simm.s32 $0xDC80  }
0x1b1: {  	[tilespmem:s25], [sflag:$0x1] =	stream.indirect_vreg.gather [hbm4b:s4+s2], $0x80, v3, vm0, $0xb8;
	[tilespmem:$0x18480] =	vst v63  }
0x1b2: {  	s10 =	simm.s32 $0xE480  }
0x1b3: {  	[tilespmem:s10], [sflag:$0x1] =	stream.indirect_vreg.gather [hbm4b:s5+s2], $0x80, v3, vm0, $0xb8;
	[tilespmem:$0x18480] =	vst v63  }
0x1b4: {  	s10 =	simm.s32 $0xEC80  }
0x1b5: {  	[tilespmem:s10], [sflag:$0x1] =	stream.indirect_vreg.gather [hbm4b:s6+s2], $0x80, v3, vm0, $0xb8;
	[tilespmem:$0x18480] =	vst v63  }
0x1b6: {  	v3 =	vld [tilespmem:$0x150];
	_ =	sdelay $0x4  }
0x1b7: {  	v13 =	vshrl.u32 v3, $0x3  }
0x1b8: {  	v4 =	vmul.u32 $0x30, v13  }
0x1b9: {  	v3 =	vand.u32 $0x7, v3  }
0x1ba: {  	v3 =	vor.u32 v3, v4  }
0x1bb: {  	v4 =	vperm.xlane v3, v0;
	_ =	sdelay $0x1  }
0x1bc: {  	v4 =	vadd.s32 v1, v4;
	_ =	sdelay $0x3  }
0x1bd: {  	s10 =	simm.s32 $0xF480;
	v3 =	vperm.xlane v3, v2  }
0x1be: {  	[tilespmem:s10], [sflag:$0x1] =	stream.indirect_vreg.gather [hbm4b:s4+s2], $0x80, v4, vm0, $0xb8;
	[tilespmem:$0x18480] =	vst v63  }
0x1bf: {  	s18 =	simm.s32 $0xFC80;
	v3 =	vadd.s32 v1, v3  }
0x1c0: {  	[tilespmem:s18], [sflag:$0x1] =	stream.indirect_vreg.gather [hbm4b:s5+s2], $0x80, v4, vm0, $0xb8;
	[tilespmem:$0x18480] =	vst v63  }
0x1c1: {  	s19 =	simm.s32 $0x10480  }
0x1c2: {  	[tilespmem:s19], [sflag:$0x1] =	stream.indirect_vreg.gather [hbm4b:s6+s2], $0x80, v4, vm0, $0xb8;
	[tilespmem:$0x18480] =	vst v63  }
0x1c3: {  	s10 =	simm.s32 $0x10C80  }
0x1c4: {  	[tilespmem:s10], [sflag:$0x1] =	stream.indirect_vreg.gather [hbm4b:s4+s2], $0x80, v3, vm0, $0xb8;
	[tilespmem:$0x18480] =	vst v63  }
0x1c5: {  	s10 =	simm.s32 $0x11480  }
0x1c6: {  	[tilespmem:s10], [sflag:$0x1] =	stream.indirect_vreg.gather [hbm4b:s5+s2], $0x80, v3, vm0, $0xb8;
	[tilespmem:$0x18480] =	vst v63  }
0x1c7: {  	s10 =	simm.s32 $0x11C80  }
0x1c8: {  	[tilespmem:s10], [sflag:$0x1] =	stream.indirect_vreg.gather [hbm4b:s6+s2], $0x80, v3, vm0, $0xb8;
	[tilespmem:$0x18480] =	vst v63  }
0x1c9: {  	v3 =	vld [tilespmem:$0x160];
	_ =	sdelay $0x4  }
0x1ca: {  	v14 =	vshrl.u32 v3, $0x3  }
0x1cb: {  	v4 =	vmul.u32 $0x30, v14  }
0x1cc: {  	v3 =	vand.u32 $0x7, v3  }
0x1cd: {  	v3 =	vor.u32 v3, v4  }
0x1ce: {  	v4 =	vperm.xlane v3, v0;
	_ =	sdelay $0x1  }
0x1cf: {  	v4 =	vadd.s32 v1, v4;
	_ =	sdelay $0x3  }
0x1d0: {  	s10 =	simm.s32 $0x12480;
	v3 =	vperm.xlane v3, v2  }
0x1d1: {  	[tilespmem:s10], [sflag:$0x1] =	stream.indirect_vreg.gather [hbm4b:s4+s2], $0x80, v4, vm0, $0xb8;
	[tilespmem:$0x18480] =	vst v63  }
0x1d2: {  	s20 =	simm.s32 $0x12C80;
	v3 =	vadd.s32 v1, v3  }
0x1d3: {  	[tilespmem:s20], [sflag:$0x1] =	stream.indirect_vreg.gather [hbm4b:s5+s2], $0x80, v4, vm0, $0xb8;
	[tilespmem:$0x18480] =	vst v63  }
0x1d4: {  	s21 =	simm.s32 $0x13480  }
0x1d5: {  	[tilespmem:s21], [sflag:$0x1] =	stream.indirect_vreg.gather [hbm4b:s6+s2], $0x80, v4, vm0, $0xb8;
	[tilespmem:$0x18480] =	vst v63  }
0x1d6: {  	s10 =	simm.s32 $0x13C80  }
0x1d7: {  	[tilespmem:s10], [sflag:$0x1] =	stream.indirect_vreg.gather [hbm4b:s4+s2], $0x80, v3, vm0, $0xb8;
	[tilespmem:$0x18480] =	vst v63  }
0x1d8: {  	s10 =	simm.s32 $0x14480  }
0x1d9: {  	[tilespmem:s10], [sflag:$0x1] =	stream.indirect_vreg.gather [hbm4b:s5+s2], $0x80, v3, vm0, $0xb8;
	[tilespmem:$0x18480] =	vst v63  }
0x1da: {  	s10 =	simm.s32 $0x14C80  }
0x1db: {  	[tilespmem:s10], [sflag:$0x1] =	stream.indirect_vreg.gather [hbm4b:s6+s2], $0x80, v3, vm0, $0xb8;
	[tilespmem:$0x18480] =	vst v63  }
0x1dc: {  	v3 =	vld [tilespmem:$0x170];
	_ =	sdelay $0x4  }
0x1dd: {  	v15 =	vshrl.u32 v3, $0x3  }
0x1de: {  	v4 =	vmul.u32 $0x30, v15  }
0x1df: {  	v3 =	vand.u32 $0x7, v3  }
0x1e0: {  	v3 =	vor.u32 v3, v4  }
0x1e1: {  	v4 =	vperm.xlane v3, v0;
	_ =	sdelay $0x1  }
0x1e2: {  	v4 =	vadd.s32 v1, v4;
	_ =	sdelay $0x3  }
0x1e3: {  	s10 =	simm.s32 $0x15480;
	v3 =	vperm.xlane v3, v2  }
0x1e4: {  	[tilespmem:s10], [sflag:$0x1] =	stream.indirect_vreg.gather [hbm4b:s4+s2], $0x80, v4, vm0, $0xb8;
	[tilespmem:$0x18480] =	vst v63  }
0x1e5: {  	s22 =	simm.s32 $0x15C80;
	v3 =	vadd.s32 v1, v3  }
0x1e6: {  	[tilespmem:s22], [sflag:$0x1] =	stream.indirect_vreg.gather [hbm4b:s5+s2], $0x80, v4, vm0, $0xb8;
	[tilespmem:$0x18480] =	vst v63  }
0x1e7: {  	s23 =	simm.s32 $0x16480  }
0x1e8: {  	[tilespmem:s23], [sflag:$0x1] =	stream.indirect_vreg.gather [hbm4b:s6+s2], $0x80, v4, vm0, $0xb8;
	[tilespmem:$0x18480] =	vst v63  }
0x1e9: {  	s10 =	simm.s32 $0x16C80  }
0x1ea: {  	[tilespmem:s10], [sflag:$0x1] =	stream.indirect_vreg.gather [hbm4b:s4+s2], $0x80, v3, vm0, $0xb8;
	[tilespmem:$0x18480] =	vst v63  }
0x1eb: {  	s10 =	simm.s32 $0x17480  }
0x1ec: {  	[tilespmem:s10], [sflag:$0x1] =	stream.indirect_vreg.gather [hbm4b:s5+s2], $0x80, v3, vm0, $0xb8;
	[tilespmem:$0x18480] =	vst v63  }
0x1ed: {  	s24 =	simm.s32 $0x17C80  }
0x1ee: {  	[tilespmem:s24], [sflag:$0x1] =	stream.indirect_vreg.gather [hbm4b:s6+s2], $0x80, v3, vm0, $0xb8;
	[tilespmem:$0x18480] =	vst v63  }
0x1ef: {  	_ =	swait.ge [sflag:s3], $0x18000  }
0x1f0: {  	[sflag:s3] =	ssyncset.done $0x0  }
0x1f1: {  	s10 =	rddreg [dreg:$0x5];
	[sflag:s3] =	ssyncadd.s32 $0xFFFE8000  }
0x1f2: {  	[hbm4b:s10+s2] =	stream.linear.scatter [tilespmem:s15], [sflag:$0x2], $0x18000, $0x38;
	[tilespmem:$0x18480] =	vst v63  }
0x1f3: {  	_ =	swait.ge [sflag:s8], $0x18000  }
0x1f4: {  	[sflag:s8] =	ssyncset.done $0x0  }
0x1f5: {  	[sflag:s8] =	ssyncadd.s32 $0xFFFE8000  }
0x1f6: {  	v3 =	vld [tilespmem:$0x180];
	_ =	sdelay $0x4  }
0x1f7: {  	v16 =	vshrl.u32 v3, $0x3  }
0x1f8: {  	v4 =	vmul.u32 $0x30, v16  }
0x1f9: {  	v3 =	vand.u32 $0x7, v3  }
0x1fa: {  	v3 =	vor.u32 v3, v4  }
0x1fb: {  	v4 =	vperm.xlane v3, v0;
	_ =	sdelay $0x1  }
0x1fc: {  	v4 =	vadd.s32 v1, v4;
	_ =	sdelay $0x3  }
0x1fd: {  	v3 =	vperm.xlane v3, v2  }
0x1fe: {  	[tilespmem:s15], [sflag:$0x1] =	stream.indirect_vreg.gather [hbm4b:s4+s2], $0x80, v4, vm0, $0xb8;
	[tilespmem:$0x18480] =	vst v63  }
0x1ff: {  	s10 =	simm.s32 $0xC80;
	v3 =	vadd.s32 v1, v3  }
0x200: {  	[tilespmem:s10], [sflag:$0x1] =	stream.indirect_vreg.gather [hbm4b:s5+s2], $0x80, v4, vm0, $0xb8;
	[tilespmem:$0x18480] =	vst v63  }
0x201: {  	s26 =	simm.s32 $0x1480  }
0x202: {  	[tilespmem:s26], [sflag:$0x1] =	stream.indirect_vreg.gather [hbm4b:s6+s2], $0x80, v4, vm0, $0xb8;
	[tilespmem:$0x18480] =	vst v63  }
0x203: {  	s28 =	simm.s32 $0x1C80  }
0x204: {  	[tilespmem:s28], [sflag:$0x1] =	stream.indirect_vreg.gather [hbm4b:s4+s2], $0x80, v3, vm0, $0xb8;
	[tilespmem:$0x18480] =	vst v63  }
0x205: {  	s29 =	simm.s32 $0x2480  }
0x206: {  	[tilespmem:s29], [sflag:$0x1] =	stream.indirect_vreg.gather [hbm4b:s5+s2], $0x80, v3, vm0, $0xb8;
	[tilespmem:$0x18480] =	vst v63  }
0x207: {  	s10 =	simm.s32 $0x2C80  }
0x208: {  	[tilespmem:s10], [sflag:$0x1] =	stream.indirect_vreg.gather [hbm4b:s6+s2], $0x80, v3, vm0, $0xb8;
	[tilespmem:$0x18480] =	vst v63  }
0x209: {  	v3 =	vld [tilespmem:$0x190];
	_ =	sdelay $0x4  }
0x20a: {  	v17 =	vshrl.u32 v3, $0x3  }
0x20b: {  	v4 =	vmul.u32 $0x30, v17  }
0x20c: {  	v3 =	vand.u32 $0x7, v3  }
0x20d: {  	v3 =	vor.u32 v3, v4  }
0x20e: {  	v4 =	vperm.xlane v3, v0;
	_ =	sdelay $0x1  }
0x20f: {  	v4 =	vadd.s32 v1, v4;
	_ =	sdelay $0x3  }
0x210: {  	s10 =	simm.s32 $0x3480;
	v3 =	vperm.xlane v3, v2  }
0x211: {  	[tilespmem:s10], [sflag:$0x1] =	stream.indirect_vreg.gather [hbm4b:s4+s2], $0x80, v4, vm0, $0xb8;
	[tilespmem:$0x18480] =	vst v63  }
0x212: {  	s30 =	simm.s32 $0x3C80;
	v3 =	vadd.s32 v1, v3  }
0x213: {  	[tilespmem:s30], [sflag:$0x1] =	stream.indirect_vreg.gather [hbm4b:s5+s2], $0x80, v4, vm0, $0xb8;
	[tilespmem:$0x18480] =	vst v63  }
0x214: {  	s31 =	simm.s32 $0x4480  }
0x215: {  	[tilespmem:s31], [sflag:$0x1] =	stream.indirect_vreg.gather [hbm4b:s6+s2], $0x80, v4, vm0, $0xb8;
	[tilespmem:$0x18480] =	vst v63  }
0x216: {  	s10 =	simm.s32 $0x4C80  }
0x217: {  	[tilespmem:s10], [sflag:$0x1] =	stream.indirect_vreg.gather [hbm4b:s4+s2], $0x80, v3, vm0, $0xb8;
	[tilespmem:$0x18480] =	vst v63  }
0x218: {  	s1 =	simm.s32 $0x5480  }
0x219: {  	[tilespmem:s1], [sflag:$0x1] =	stream.indirect_vreg.gather [hbm4b:s5+s2], $0x80, v3, vm0, $0xb8;
	[tilespmem:$0x18480] =	vst v63  }
0x21a: {  	s10 =	simm.s32 $0x5C80  }
0x21b: {  	[tilespmem:s10], [sflag:$0x1] =	stream.indirect_vreg.gather [hbm4b:s6+s2], $0x80, v3, vm0, $0xb8;
	[tilespmem:$0x18480] =	vst v63  }
0x21c: {  	v3 =	vld [tilespmem:$0x1A0];
	_ =	sdelay $0x4  }
0x21d: {  	v18 =	vshrl.u32 v3, $0x3  }
0x21e: {  	v4 =	vmul.u32 $0x30, v18  }
0x21f: {  	v3 =	vand.u32 $0x7, v3  }
0x220: {  	v3 =	vor.u32 v3, v4  }
0x221: {  	v4 =	vperm.xlane v3, v0;
	_ =	sdelay $0x1  }
0x222: {  	v4 =	vadd.s32 v1, v4;
	_ =	sdelay $0x3  }
0x223: {  	s10 =	simm.s32 $0x6480;
	v3 =	vperm.xlane v3, v2  }
0x224: {  	[tilespmem:s10], [sflag:$0x1] =	stream.indirect_vreg.gather [hbm4b:s4+s2], $0x80, v4, vm0, $0xb8;
	[tilespmem:$0x18480] =	vst v63  }
0x225: {  	s7 =	simm.s32 $0x6C80;
	v3 =	vadd.s32 v1, v3  }
0x226: {  	[tilespmem:s7], [sflag:$0x1] =	stream.indirect_vreg.gather [hbm4b:s5+s2], $0x80, v4, vm0, $0xb8;
	[tilespmem:$0x18480] =	vst v63  }
0x227: {  	s9 =	simm.s32 $0x7480  }
0x228: {  	[tilespmem:s9], [sflag:$0x1] =	stream.indirect_vreg.gather [hbm4b:s6+s2], $0x80, v4, vm0, $0xb8;
	[tilespmem:$0x18480] =	vst v63  }
0x229: {  	s11 =	simm.s32 $0x7C80  }
0x22a: {  	[tilespmem:s11], [sflag:$0x1] =	stream.indirect_vreg.gather [hbm4b:s4+s2], $0x80, v3, vm0, $0xb8;
	[tilespmem:$0x18480] =	vst v63  }
0x22b: {  	s12 =	simm.s32 $0x8480  }
0x22c: {  	[tilespmem:s12], [sflag:$0x1] =	stream.indirect_vreg.gather [hbm4b:s5+s2], $0x80, v3, vm0, $0xb8;
	[tilespmem:$0x18480] =	vst v63  }
0x22d: {  	s10 =	simm.s32 $0x8C80  }
0x22e: {  	[tilespmem:s10], [sflag:$0x1] =	stream.indirect_vreg.gather [hbm4b:s6+s2], $0x80, v3, vm0, $0xb8;
	[tilespmem:$0x18480] =	vst v63  }
0x22f: {  	v3 =	vld [tilespmem:$0x1B0];
	_ =	sdelay $0x4  }
0x230: {  	v19 =	vshrl.u32 v3, $0x3  }
0x231: {  	v4 =	vmul.u32 $0x30, v19  }
0x232: {  	v3 =	vand.u32 $0x7, v3  }
0x233: {  	v3 =	vor.u32 v3, v4  }
0x234: {  	v4 =	vperm.xlane v3, v0;
	_ =	sdelay $0x1  }
0x235: {  	v4 =	vadd.s32 v1, v4;
	_ =	sdelay $0x3  }
0x236: {  	s10 =	simm.s32 $0x9480;
	v3 =	vperm.xlane v3, v2  }
0x237: {  	[tilespmem:s10], [sflag:$0x1] =	stream.indirect_vreg.gather [hbm4b:s4+s2], $0x80, v4, vm0, $0xb8;
	[tilespmem:$0x18480] =	vst v63  }
0x238: {  	s13 =	simm.s32 $0x9C80;
	v3 =	vadd.s32 v1, v3  }
0x239: {  	[tilespmem:s13], [sflag:$0x1] =	stream.indirect_vreg.gather [hbm4b:s5+s2], $0x80, v4, vm0, $0xb8;
	[tilespmem:$0x18480] =	vst v63  }
0x23a: {  	s14 =	simm.s32 $0xA480  }
0x23b: {  	[tilespmem:s14], [sflag:$0x1] =	stream.indirect_vreg.gather [hbm4b:s6+s2], $0x80, v4, vm0, $0xb8;
	[tilespmem:$0x18480] =	vst v63  }
0x23c: {  	s0 =	simm.s32 $0xAC80  }
0x23d: {  	[tilespmem:s0], [sflag:$0x1] =	stream.indirect_vreg.gather [hbm4b:s4+s2], $0x80, v3, vm0, $0xb8;
	[tilespmem:$0x18480] =	vst v63  }
0x23e: {  	s10 =	simm.s32 $0xB480  }
0x23f: {  	[tilespmem:s10], [sflag:$0x1] =	stream.indirect_vreg.gather [hbm4b:s5+s2], $0x80, v3, vm0, $0xb8;
	[tilespmem:$0x18480] =	vst v63  }
0x240: {  	s10 =	simm.s32 $0xBC80  }
0x241: {  	[tilespmem:s10], [sflag:$0x1] =	stream.indirect_vreg.gather [hbm4b:s6+s2], $0x80, v3, vm0, $0xb8;
	[tilespmem:$0x18480] =	vst v63  }
0x242: {  	v3 =	vld [tilespmem:$0x1C0];
	_ =	sdelay $0x4  }
0x243: {  	v20 =	vshrl.u32 v3, $0x3  }
0x244: {  	v4 =	vmul.u32 $0x30, v20  }
0x245: {  	v3 =	vand.u32 $0x7, v3  }
0x246: {  	v3 =	vor.u32 v3, v4  }
0x247: {  	v4 =	vperm.xlane v3, v0;
	_ =	sdelay $0x1  }
0x248: {  	v4 =	vadd.s32 v1, v4;
	_ =	sdelay $0x3  }
0x249: {  	s10 =	simm.s32 $0xC480;
	v3 =	vperm.xlane v3, v2  }
0x24a: {  	[tilespmem:s10], [sflag:$0x1] =	stream.indirect_vreg.gather [hbm4b:s4+s2], $0x80, v4, vm0, $0xb8;
	[tilespmem:$0x18480] =	vst v63  }
0x24b: {  	s16 =	simm.s32 $0xCC80;
	v3 =	vadd.s32 v1, v3  }
0x24c: {  	[tilespmem:s16], [sflag:$0x1] =	stream.indirect_vreg.gather [hbm4b:s5+s2], $0x80, v4, vm0, $0xb8;
	[tilespmem:$0x18480] =	vst v63  }
0x24d: {  	s17 =	simm.s32 $0xD480  }
0x24e: {  	[tilespmem:s17], [sflag:$0x1] =	stream.indirect_vreg.gather [hbm4b:s6+s2], $0x80, v4, vm0, $0xb8;
	[tilespmem:$0x18480] =	vst v63  }
0x24f: {  	s25 =	simm.s32 $0xDC80  }
0x250: {  	[tilespmem:s25], [sflag:$0x1] =	stream.indirect_vreg.gather [hbm4b:s4+s2], $0x80, v3, vm0, $0xb8;
	[tilespmem:$0x18480] =	vst v63  }
0x251: {  	s10 =	simm.s32 $0xE480  }
0x252: {  	[tilespmem:s10], [sflag:$0x1] =	stream.indirect_vreg.gather [hbm4b:s5+s2], $0x80, v3, vm0, $0xb8;
	[tilespmem:$0x18480] =	vst v63  }
0x253: {  	s10 =	simm.s32 $0xEC80  }
0x254: {  	[tilespmem:s10], [sflag:$0x1] =	stream.indirect_vreg.gather [hbm4b:s6+s2], $0x80, v3, vm0, $0xb8;
	[tilespmem:$0x18480] =	vst v63  }
0x255: {  	v3 =	vld [tilespmem:$0x1D0];
	_ =	sdelay $0x4  }
0x256: {  	v21 =	vshrl.u32 v3, $0x3  }
0x257: {  	v4 =	vmul.u32 $0x30, v21  }
0x258: {  	v3 =	vand.u32 $0x7, v3  }
0x259: {  	v3 =	vor.u32 v3, v4  }
0x25a: {  	v4 =	vperm.xlane v3, v0;
	_ =	sdelay $0x1  }
0x25b: {  	v4 =	vadd.s32 v1, v4;
	_ =	sdelay $0x3  }
0x25c: {  	s10 =	simm.s32 $0xF480;
	v3 =	vperm.xlane v3, v2  }
0x25d: {  	[tilespmem:s10], [sflag:$0x1] =	stream.indirect_vreg.gather [hbm4b:s4+s2], $0x80, v4, vm0, $0xb8;
	[tilespmem:$0x18480] =	vst v63  }
0x25e: {  	s18 =	simm.s32 $0xFC80;
	v3 =	vadd.s32 v1, v3  }
0x25f: {  	[tilespmem:s18], [sflag:$0x1] =	stream.indirect_vreg.gather [hbm4b:s5+s2], $0x80, v4, vm0, $0xb8;
	[tilespmem:$0x18480] =	vst v63  }
0x260: {  	s19 =	simm.s32 $0x10480  }
0x261: {  	[tilespmem:s19], [sflag:$0x1] =	stream.indirect_vreg.gather [hbm4b:s6+s2], $0x80, v4, vm0, $0xb8;
	[tilespmem:$0x18480] =	vst v63  }
0x262: {  	s10 =	simm.s32 $0x10C80  }
0x263: {  	[tilespmem:s10], [sflag:$0x1] =	stream.indirect_vreg.gather [hbm4b:s4+s2], $0x80, v3, vm0, $0xb8;
	[tilespmem:$0x18480] =	vst v63  }
0x264: {  	s10 =	simm.s32 $0x11480  }
0x265: {  	[tilespmem:s10], [sflag:$0x1] =	stream.indirect_vreg.gather [hbm4b:s5+s2], $0x80, v3, vm0, $0xb8;
	[tilespmem:$0x18480] =	vst v63  }
0x266: {  	s10 =	simm.s32 $0x11C80  }
0x267: {  	[tilespmem:s10], [sflag:$0x1] =	stream.indirect_vreg.gather [hbm4b:s6+s2], $0x80, v3, vm0, $0xb8;
	[tilespmem:$0x18480] =	vst v63  }
0x268: {  	v3 =	vld [tilespmem:$0x1E0];
	_ =	sdelay $0x4  }
0x269: {  	v22 =	vshrl.u32 v3, $0x3  }
0x26a: {  	v4 =	vmul.u32 $0x30, v22  }
0x26b: {  	v3 =	vand.u32 $0x7, v3  }
0x26c: {  	v3 =	vor.u32 v3, v4  }
0x26d: {  	v4 =	vperm.xlane v3, v0;
	_ =	sdelay $0x1  }
0x26e: {  	v4 =	vadd.s32 v1, v4;
	_ =	sdelay $0x3  }
0x26f: {  	s10 =	simm.s32 $0x12480;
	v3 =	vperm.xlane v3, v2  }
0x270: {  	[tilespmem:s10], [sflag:$0x1] =	stream.indirect_vreg.gather [hbm4b:s4+s2], $0x80, v4, vm0, $0xb8;
	[tilespmem:$0x18480] =	vst v63  }
0x271: {  	s20 =	simm.s32 $0x12C80;
	v3 =	vadd.s32 v1, v3  }
0x272: {  	[tilespmem:s20], [sflag:$0x1] =	stream.indirect_vreg.gather [hbm4b:s5+s2], $0x80, v4, vm0, $0xb8;
	[tilespmem:$0x18480] =	vst v63  }
0x273: {  	s21 =	simm.s32 $0x13480  }
0x274: {  	[tilespmem:s21], [sflag:$0x1] =	stream.indirect_vreg.gather [hbm4b:s6+s2], $0x80, v4, vm0, $0xb8;
	[tilespmem:$0x18480] =	vst v63  }
0x275: {  	s10 =	simm.s32 $0x13C80  }
0x276: {  	[tilespmem:s10], [sflag:$0x1] =	stream.indirect_vreg.gather [hbm4b:s4+s2], $0x80, v3, vm0, $0xb8;
	[tilespmem:$0x18480] =	vst v63  }
0x277: {  	s10 =	simm.s32 $0x14480  }
0x278: {  	[tilespmem:s10], [sflag:$0x1] =	stream.indirect_vreg.gather [hbm4b:s5+s2], $0x80, v3, vm0, $0xb8;
	[tilespmem:$0x18480] =	vst v63  }
0x279: {  	s10 =	simm.s32 $0x14C80  }
0x27a: {  	[tilespmem:s10], [sflag:$0x1] =	stream.indirect_vreg.gather [hbm4b:s6+s2], $0x80, v3, vm0, $0xb8;
	[tilespmem:$0x18480] =	vst v63  }
0x27b: {  	v3 =	vld [tilespmem:$0x1F0];
	_ =	sdelay $0x4  }
0x27c: {  	v23 =	vshrl.u32 v3, $0x3  }
0x27d: {  	v4 =	vmul.u32 $0x30, v23  }
0x27e: {  	v3 =	vand.u32 $0x7, v3  }
0x27f: {  	v3 =	vor.u32 v3, v4  }
0x280: {  	v4 =	vperm.xlane v3, v0;
	_ =	sdelay $0x1  }
0x281: {  	v4 =	vadd.s32 v1, v4;
	_ =	sdelay $0x3  }
0x282: {  	s10 =	simm.s32 $0x15480;
	v3 =	vperm.xlane v3, v2  }
0x283: {  	[tilespmem:s10], [sflag:$0x1] =	stream.indirect_vreg.gather [hbm4b:s4+s2], $0x80, v4, vm0, $0xb8;
	[tilespmem:$0x18480] =	vst v63  }
0x284: {  	s22 =	simm.s32 $0x15C80;
	v3 =	vadd.s32 v1, v3  }
0x285: {  	[tilespmem:s22], [sflag:$0x1] =	stream.indirect_vreg.gather [hbm4b:s5+s2], $0x80, v4, vm0, $0xb8;
	[tilespmem:$0x18480] =	vst v63  }
0x286: {  	s23 =	simm.s32 $0x16480  }
0x287: {  	[tilespmem:s23], [sflag:$0x1] =	stream.indirect_vreg.gather [hbm4b:s6+s2], $0x80, v4, vm0, $0xb8;
	[tilespmem:$0x18480] =	vst v63  }
0x288: {  	s10 =	simm.s32 $0x16C80  }
0x289: {  	[tilespmem:s10], [sflag:$0x1] =	stream.indirect_vreg.gather [hbm4b:s4+s2], $0x80, v3, vm0, $0xb8;
	[tilespmem:$0x18480] =	vst v63  }
0x28a: {  	s10 =	simm.s32 $0x17480  }
0x28b: {  	[tilespmem:s10], [sflag:$0x1] =	stream.indirect_vreg.gather [hbm4b:s5+s2], $0x80, v3, vm0, $0xb8;
	[tilespmem:$0x18480] =	vst v63  }
0x28c: {  	s24 =	simm.s32 $0x17C80  }
0x28d: {  	[tilespmem:s24], [sflag:$0x1] =	stream.indirect_vreg.gather [hbm4b:s6+s2], $0x80, v3, vm0, $0xb8;
	[tilespmem:$0x18480] =	vst v63  }
0x28e: {  	_ =	swait.ge [sflag:s3], $0x18000  }
0x28f: {  	[sflag:s3] =	ssyncset.done $0x0  }
0x290: {  	s10 =	rddreg [dreg:$0x6];
	[sflag:s3] =	ssyncadd.s32 $0xFFFE8000  }
0x291: {  	[hbm4b:s10+s2] =	stream.linear.scatter [tilespmem:s15], [sflag:$0x2], $0x18000, $0x38;
	[tilespmem:$0x18480] =	vst v63  }
0x292: {  	_ =	swait.ge [sflag:s8], $0x18000  }
0x293: {  	[sflag:s8] =	ssyncset.done $0x0  }
0x294: {  	[sflag:s8] =	ssyncadd.s32 $0xFFFE8000  }
0x295: {  	v3 =	vld [tilespmem:$0x200];
	_ =	sdelay $0x4  }
0x296: {  	v24 =	vshrl.u32 v3, $0x3  }
0x297: {  	v4 =	vmul.u32 $0x30, v24  }
0x298: {  	v3 =	vand.u32 $0x7, v3  }
0x299: {  	v3 =	vor.u32 v3, v4  }
0x29a: {  	v4 =	vperm.xlane v3, v0;
	_ =	sdelay $0x1  }
0x29b: {  	v4 =	vadd.s32 v1, v4;
	_ =	sdelay $0x3  }
0x29c: {  	v3 =	vperm.xlane v3, v2  }
0x29d: {  	[tilespmem:s15], [sflag:$0x1] =	stream.indirect_vreg.gather [hbm4b:s4+s2], $0x80, v4, vm0, $0xb8;
	[tilespmem:$0x18480] =	vst v63  }
0x29e: {  	s10 =	simm.s32 $0xC80;
	v3 =	vadd.s32 v1, v3  }
0x29f: {  	[tilespmem:s10], [sflag:$0x1] =	stream.indirect_vreg.gather [hbm4b:s5+s2], $0x80, v4, vm0, $0xb8;
	[tilespmem:$0x18480] =	vst v63  }
0x2a0: {  	s26 =	simm.s32 $0x1480  }
0x2a1: {  	[tilespmem:s26], [sflag:$0x1] =	stream.indirect_vreg.gather [hbm4b:s6+s2], $0x80, v4, vm0, $0xb8;
	[tilespmem:$0x18480] =	vst v63  }
0x2a2: {  	s28 =	simm.s32 $0x1C80  }
0x2a3: {  	[tilespmem:s28], [sflag:$0x1] =	stream.indirect_vreg.gather [hbm4b:s4+s2], $0x80, v3, vm0, $0xb8;
	[tilespmem:$0x18480] =	vst v63  }
0x2a4: {  	s29 =	simm.s32 $0x2480  }
0x2a5: {  	[tilespmem:s29], [sflag:$0x1] =	stream.indirect_vreg.gather [hbm4b:s5+s2], $0x80, v3, vm0, $0xb8;
	[tilespmem:$0x18480] =	vst v63  }
0x2a6: {  	s10 =	simm.s32 $0x2C80  }
0x2a7: {  	[tilespmem:s10], [sflag:$0x1] =	stream.indirect_vreg.gather [hbm4b:s6+s2], $0x80, v3, vm0, $0xb8;
	[tilespmem:$0x18480] =	vst v63  }
0x2a8: {  	v3 =	vld [tilespmem:$0x210];
	_ =	sdelay $0x4  }
0x2a9: {  	v25 =	vshrl.u32 v3, $0x3  }
0x2aa: {  	v4 =	vmul.u32 $0x30, v25  }
0x2ab: {  	v3 =	vand.u32 $0x7, v3  }
0x2ac: {  	v3 =	vor.u32 v3, v4  }
0x2ad: {  	v4 =	vperm.xlane v3, v0;
	_ =	sdelay $0x1  }
0x2ae: {  	v4 =	vadd.s32 v1, v4;
	_ =	sdelay $0x3  }
0x2af: {  	s10 =	simm.s32 $0x3480;
	v3 =	vperm.xlane v3, v2  }
0x2b0: {  	[tilespmem:s10], [sflag:$0x1] =	stream.indirect_vreg.gather [hbm4b:s4+s2], $0x80, v4, vm0, $0xb8;
	[tilespmem:$0x18480] =	vst v63  }
0x2b1: {  	s30 =	simm.s32 $0x3C80;
	v3 =	vadd.s32 v1, v3  }
0x2b2: {  	[tilespmem:s30], [sflag:$0x1] =	stream.indirect_vreg.gather [hbm4b:s5+s2], $0x80, v4, vm0, $0xb8;
	[tilespmem:$0x18480] =	vst v63  }
0x2b3: {  	s31 =	simm.s32 $0x4480  }
0x2b4: {  	[tilespmem:s31], [sflag:$0x1] =	stream.indirect_vreg.gather [hbm4b:s6+s2], $0x80, v4, vm0, $0xb8;
	[tilespmem:$0x18480] =	vst v63  }
0x2b5: {  	s10 =	simm.s32 $0x4C80  }
0x2b6: {  	[tilespmem:s10], [sflag:$0x1] =	stream.indirect_vreg.gather [hbm4b:s4+s2], $0x80, v3, vm0, $0xb8;
	[tilespmem:$0x18480] =	vst v63  }
0x2b7: {  	s1 =	simm.s32 $0x5480  }
0x2b8: {  	[tilespmem:s1], [sflag:$0x1] =	stream.indirect_vreg.gather [hbm4b:s5+s2], $0x80, v3, vm0, $0xb8;
	[tilespmem:$0x18480] =	vst v63  }
0x2b9: {  	s10 =	simm.s32 $0x5C80  }
0x2ba: {  	[tilespmem:s10], [sflag:$0x1] =	stream.indirect_vreg.gather [hbm4b:s6+s2], $0x80, v3, vm0, $0xb8;
	[tilespmem:$0x18480] =	vst v63  }
0x2bb: {  	v3 =	vld [tilespmem:$0x220];
	_ =	sdelay $0x4  }
0x2bc: {  	v26 =	vshrl.u32 v3, $0x3  }
0x2bd: {  	v4 =	vmul.u32 $0x30, v26  }
0x2be: {  	v3 =	vand.u32 $0x7, v3  }
0x2bf: {  	v3 =	vor.u32 v3, v4  }
0x2c0: {  	v4 =	vperm.xlane v3, v0;
	_ =	sdelay $0x1  }
0x2c1: {  	v4 =	vadd.s32 v1, v4;
	_ =	sdelay $0x3  }
0x2c2: {  	s10 =	simm.s32 $0x6480;
	v3 =	vperm.xlane v3, v2  }
0x2c3: {  	[tilespmem:s10], [sflag:$0x1] =	stream.indirect_vreg.gather [hbm4b:s4+s2], $0x80, v4, vm0, $0xb8;
	[tilespmem:$0x18480] =	vst v63  }
0x2c4: {  	s7 =	simm.s32 $0x6C80;
	v3 =	vadd.s32 v1, v3  }
0x2c5: {  	[tilespmem:s7], [sflag:$0x1] =	stream.indirect_vreg.gather [hbm4b:s5+s2], $0x80, v4, vm0, $0xb8;
	[tilespmem:$0x18480] =	vst v63  }
0x2c6: {  	s9 =	simm.s32 $0x7480  }
0x2c7: {  	[tilespmem:s9], [sflag:$0x1] =	stream.indirect_vreg.gather [hbm4b:s6+s2], $0x80, v4, vm0, $0xb8;
	[tilespmem:$0x18480] =	vst v63  }
0x2c8: {  	s11 =	simm.s32 $0x7C80  }
0x2c9: {  	[tilespmem:s11], [sflag:$0x1] =	stream.indirect_vreg.gather [hbm4b:s4+s2], $0x80, v3, vm0, $0xb8;
	[tilespmem:$0x18480] =	vst v63  }
0x2ca: {  	s12 =	simm.s32 $0x8480  }
0x2cb: {  	[tilespmem:s12], [sflag:$0x1] =	stream.indirect_vreg.gather [hbm4b:s5+s2], $0x80, v3, vm0, $0xb8;
	[tilespmem:$0x18480] =	vst v63  }
0x2cc: {  	s10 =	simm.s32 $0x8C80  }
0x2cd: {  	[tilespmem:s10], [sflag:$0x1] =	stream.indirect_vreg.gather [hbm4b:s6+s2], $0x80, v3, vm0, $0xb8;
	[tilespmem:$0x18480] =	vst v63  }
0x2ce: {  	v3 =	vld [tilespmem:$0x230];
	_ =	sdelay $0x4  }
0x2cf: {  	v27 =	vshrl.u32 v3, $0x3  }
0x2d0: {  	v4 =	vmul.u32 $0x30, v27  }
0x2d1: {  	v3 =	vand.u32 $0x7, v3  }
0x2d2: {  	v3 =	vor.u32 v3, v4  }
0x2d3: {  	v4 =	vperm.xlane v3, v0;
	_ =	sdelay $0x1  }
0x2d4: {  	v4 =	vadd.s32 v1, v4;
	_ =	sdelay $0x3  }
0x2d5: {  	s10 =	simm.s32 $0x9480;
	v3 =	vperm.xlane v3, v2  }
0x2d6: {  	[tilespmem:s10], [sflag:$0x1] =	stream.indirect_vreg.gather [hbm4b:s4+s2], $0x80, v4, vm0, $0xb8;
	[tilespmem:$0x18480] =	vst v63  }
0x2d7: {  	s13 =	simm.s32 $0x9C80;
	v3 =	vadd.s32 v1, v3  }
0x2d8: {  	[tilespmem:s13], [sflag:$0x1] =	stream.indirect_vreg.gather [hbm4b:s5+s2], $0x80, v4, vm0, $0xb8;
	[tilespmem:$0x18480] =	vst v63  }
0x2d9: {  	s14 =	simm.s32 $0xA480  }
0x2da: {  	[tilespmem:s14], [sflag:$0x1] =	stream.indirect_vreg.gather [hbm4b:s6+s2], $0x80, v4, vm0, $0xb8;
	[tilespmem:$0x18480] =	vst v63  }
0x2db: {  	s0 =	simm.s32 $0xAC80  }
0x2dc: {  	[tilespmem:s0], [sflag:$0x1] =	stream.indirect_vreg.gather [hbm4b:s4+s2], $0x80, v3, vm0, $0xb8;
	[tilespmem:$0x18480] =	vst v63  }
0x2dd: {  	s10 =	simm.s32 $0xB480  }
0x2de: {  	[tilespmem:s10], [sflag:$0x1] =	stream.indirect_vreg.gather [hbm4b:s5+s2], $0x80, v3, vm0, $0xb8;
	[tilespmem:$0x18480] =	vst v63  }
0x2df: {  	s10 =	simm.s32 $0xBC80  }
0x2e0: {  	[tilespmem:s10], [sflag:$0x1] =	stream.indirect_vreg.gather [hbm4b:s6+s2], $0x80, v3, vm0, $0xb8;
	[tilespmem:$0x18480] =	vst v63  }
0x2e1: {  	v3 =	vld [tilespmem:$0x240];
	_ =	sdelay $0x4  }
0x2e2: {  	v28 =	vshrl.u32 v3, $0x3  }
0x2e3: {  	v4 =	vmul.u32 $0x30, v28  }
0x2e4: {  	v3 =	vand.u32 $0x7, v3  }
0x2e5: {  	v3 =	vor.u32 v3, v4  }
0x2e6: {  	v4 =	vperm.xlane v3, v0;
	_ =	sdelay $0x1  }
0x2e7: {  	v4 =	vadd.s32 v1, v4;
	_ =	sdelay $0x3  }
0x2e8: {  	s10 =	simm.s32 $0xC480;
	v3 =	vperm.xlane v3, v2  }
0x2e9: {  	[tilespmem:s10], [sflag:$0x1] =	stream.indirect_vreg.gather [hbm4b:s4+s2], $0x80, v4, vm0, $0xb8;
	[tilespmem:$0x18480] =	vst v63  }
0x2ea: {  	s16 =	simm.s32 $0xCC80;
	v3 =	vadd.s32 v1, v3  }
0x2eb: {  	[tilespmem:s16], [sflag:$0x1] =	stream.indirect_vreg.gather [hbm4b:s5+s2], $0x80, v4, vm0, $0xb8;
	[tilespmem:$0x18480] =	vst v63  }
0x2ec: {  	s17 =	simm.s32 $0xD480  }
0x2ed: {  	[tilespmem:s17], [sflag:$0x1] =	stream.indirect_vreg.gather [hbm4b:s6+s2], $0x80, v4, vm0, $0xb8;
	[tilespmem:$0x18480] =	vst v63  }
0x2ee: {  	s25 =	simm.s32 $0xDC80  }
0x2ef: {  	[tilespmem:s25], [sflag:$0x1] =	stream.indirect_vreg.gather [hbm4b:s4+s2], $0x80, v3, vm0, $0xb8;
	[tilespmem:$0x18480] =	vst v63  }
0x2f0: {  	s10 =	simm.s32 $0xE480  }
0x2f1: {  	[tilespmem:s10], [sflag:$0x1] =	stream.indirect_vreg.gather [hbm4b:s5+s2], $0x80, v3, vm0, $0xb8;
	[tilespmem:$0x18480] =	vst v63  }
0x2f2: {  	s10 =	simm.s32 $0xEC80  }
0x2f3: {  	[tilespmem:s10], [sflag:$0x1] =	stream.indirect_vreg.gather [hbm4b:s6+s2], $0x80, v3, vm0, $0xb8;
	[tilespmem:$0x18480] =	vst v63  }
0x2f4: {  	v3 =	vld [tilespmem:$0x250];
	_ =	sdelay $0x4  }
0x2f5: {  	v29 =	vshrl.u32 v3, $0x3  }
0x2f6: {  	v4 =	vmul.u32 $0x30, v29  }
0x2f7: {  	v3 =	vand.u32 $0x7, v3  }
0x2f8: {  	v3 =	vor.u32 v3, v4  }
0x2f9: {  	v4 =	vperm.xlane v3, v0;
	_ =	sdelay $0x1  }
0x2fa: {  	v4 =	vadd.s32 v1, v4;
	_ =	sdelay $0x3  }
0x2fb: {  	s10 =	simm.s32 $0xF480;
	v3 =	vperm.xlane v3, v2  }
0x2fc: {  	[tilespmem:s10], [sflag:$0x1] =	stream.indirect_vreg.gather [hbm4b:s4+s2], $0x80, v4, vm0, $0xb8;
	[tilespmem:$0x18480] =	vst v63  }
0x2fd: {  	s18 =	simm.s32 $0xFC80;
	v3 =	vadd.s32 v1, v3  }
0x2fe: {  	[tilespmem:s18], [sflag:$0x1] =	stream.indirect_vreg.gather [hbm4b:s5+s2], $0x80, v4, vm0, $0xb8;
	[tilespmem:$0x18480] =	vst v63  }
0x2ff: {  	s19 =	simm.s32 $0x10480  }
0x300: {  	[tilespmem:s19], [sflag:$0x1] =	stream.indirect_vreg.gather [hbm4b:s6+s2], $0x80, v4, vm0, $0xb8;
	[tilespmem:$0x18480] =	vst v63  }
0x301: {  	s10 =	simm.s32 $0x10C80  }
0x302: {  	[tilespmem:s10], [sflag:$0x1] =	stream.indirect_vreg.gather [hbm4b:s4+s2], $0x80, v3, vm0, $0xb8;
	[tilespmem:$0x18480] =	vst v63  }
0x303: {  	s10 =	simm.s32 $0x11480  }
0x304: {  	[tilespmem:s10], [sflag:$0x1] =	stream.indirect_vreg.gather [hbm4b:s5+s2], $0x80, v3, vm0, $0xb8;
	[tilespmem:$0x18480] =	vst v63  }
0x305: {  	s10 =	simm.s32 $0x11C80  }
0x306: {  	[tilespmem:s10], [sflag:$0x1] =	stream.indirect_vreg.gather [hbm4b:s6+s2], $0x80, v3, vm0, $0xb8;
	[tilespmem:$0x18480] =	vst v63  }
0x307: {  	v3 =	vld [tilespmem:$0x260];
	_ =	sdelay $0x4  }
0x308: {  	v30 =	vshrl.u32 v3, $0x3  }
0x309: {  	v4 =	vmul.u32 $0x30, v30  }
0x30a: {  	v3 =	vand.u32 $0x7, v3  }
0x30b: {  	v3 =	vor.u32 v3, v4  }
0x30c: {  	v4 =	vperm.xlane v3, v0;
	_ =	sdelay $0x1  }
0x30d: {  	v4 =	vadd.s32 v1, v4;
	_ =	sdelay $0x3  }
0x30e: {  	s10 =	simm.s32 $0x12480;
	v3 =	vperm.xlane v3, v2  }
0x30f: {  	[tilespmem:s10], [sflag:$0x1] =	stream.indirect_vreg.gather [hbm4b:s4+s2], $0x80, v4, vm0, $0xb8;
	[tilespmem:$0x18480] =	vst v63  }
0x310: {  	s20 =	simm.s32 $0x12C80;
	v3 =	vadd.s32 v1, v3  }
0x311: {  	[tilespmem:s20], [sflag:$0x1] =	stream.indirect_vreg.gather [hbm4b:s5+s2], $0x80, v4, vm0, $0xb8;
	[tilespmem:$0x18480] =	vst v63  }
0x312: {  	s21 =	simm.s32 $0x13480  }
0x313: {  	[tilespmem:s21], [sflag:$0x1] =	stream.indirect_vreg.gather [hbm4b:s6+s2], $0x80, v4, vm0, $0xb8;
	[tilespmem:$0x18480] =	vst v63  }
0x314: {  	s10 =	simm.s32 $0x13C80  }
0x315: {  	[tilespmem:s10], [sflag:$0x1] =	stream.indirect_vreg.gather [hbm4b:s4+s2], $0x80, v3, vm0, $0xb8;
	[tilespmem:$0x18480] =	vst v63  }
0x316: {  	s10 =	simm.s32 $0x14480  }
0x317: {  	[tilespmem:s10], [sflag:$0x1] =	stream.indirect_vreg.gather [hbm4b:s5+s2], $0x80, v3, vm0, $0xb8;
	[tilespmem:$0x18480] =	vst v63  }
0x318: {  	s10 =	simm.s32 $0x14C80  }
0x319: {  	[tilespmem:s10], [sflag:$0x1] =	stream.indirect_vreg.gather [hbm4b:s6+s2], $0x80, v3, vm0, $0xb8;
	[tilespmem:$0x18480] =	vst v63  }
0x31a: {  	v3 =	vld [tilespmem:$0x270];
	_ =	sdelay $0x4  }
0x31b: {  	v31 =	vshrl.u32 v3, $0x3  }
0x31c: {  	v4 =	vmul.u32 $0x30, v31  }
0x31d: {  	v3 =	vand.u32 $0x7, v3  }
0x31e: {  	v3 =	vor.u32 v3, v4  }
0x31f: {  	v4 =	vperm.xlane v3, v0;
	_ =	sdelay $0x1  }
0x320: {  	v4 =	vadd.s32 v1, v4;
	_ =	sdelay $0x3  }
0x321: {  	s10 =	simm.s32 $0x15480;
	v3 =	vperm.xlane v3, v2  }
0x322: {  	[tilespmem:s10], [sflag:$0x1] =	stream.indirect_vreg.gather [hbm4b:s4+s2], $0x80, v4, vm0, $0xb8;
	[tilespmem:$0x18480] =	vst v63  }
0x323: {  	s22 =	simm.s32 $0x15C80;
	v3 =	vadd.s32 v1, v3  }
0x324: {  	[tilespmem:s22], [sflag:$0x1] =	stream.indirect_vreg.gather [hbm4b:s5+s2], $0x80, v4, vm0, $0xb8;
	[tilespmem:$0x18480] =	vst v63  }
0x325: {  	s23 =	simm.s32 $0x16480  }
0x326: {  	[tilespmem:s23], [sflag:$0x1] =	stream.indirect_vreg.gather [hbm4b:s6+s2], $0x80, v4, vm0, $0xb8;
	[tilespmem:$0x18480] =	vst v63  }
0x327: {  	s10 =	simm.s32 $0x16C80  }
0x328: {  	[tilespmem:s10], [sflag:$0x1] =	stream.indirect_vreg.gather [hbm4b:s4+s2], $0x80, v3, vm0, $0xb8;
	[tilespmem:$0x18480] =	vst v63  }
0x329: {  	s10 =	simm.s32 $0x17480  }
0x32a: {  	[tilespmem:s10], [sflag:$0x1] =	stream.indirect_vreg.gather [hbm4b:s5+s2], $0x80, v3, vm0, $0xb8;
	[tilespmem:$0x18480] =	vst v63  }
0x32b: {  	s24 =	simm.s32 $0x17C80  }
0x32c: {  	[tilespmem:s24], [sflag:$0x1] =	stream.indirect_vreg.gather [hbm4b:s6+s2], $0x80, v3, vm0, $0xb8;
	[tilespmem:$0x18480] =	vst v63  }
0x32d: {  	_ =	swait.ge [sflag:s3], $0x18000  }
0x32e: {  	[sflag:s3] =	ssyncset.done $0x0  }
0x32f: {  	s10 =	rddreg [dreg:$0x7];
	[sflag:s3] =	ssyncadd.s32 $0xFFFE8000  }
0x330: {  	[hbm4b:s10+s2] =	stream.linear.scatter [tilespmem:s15], [sflag:$0x2], $0x18000, $0x38;
	[tilespmem:$0x18480] =	vst v63  }
0x331: {  	_ =	swait.ge [sflag:s8], $0x18000  }
0x332: {  	[sflag:s8] =	ssyncset.done $0x0  }
0x333: {  	[sflag:s8] =	ssyncadd.s32 $0xFFFE8000  }
0x334: {  	v3 =	vld [tilespmem:$0x280];
	_ =	sdelay $0x4  }
0x335: {  	v32 =	vshrl.u32 v3, $0x3  }
0x336: {  	v4 =	vmul.u32 $0x30, v32  }
0x337: {  	v3 =	vand.u32 $0x7, v3  }
0x338: {  	v3 =	vor.u32 v3, v4  }
0x339: {  	v4 =	vperm.xlane v3, v0;
	_ =	sdelay $0x1  }
0x33a: {  	v4 =	vadd.s32 v1, v4;
	_ =	sdelay $0x3  }
0x33b: {  	v3 =	vperm.xlane v3, v2  }
0x33c: {  	[tilespmem:s15], [sflag:$0x1] =	stream.indirect_vreg.gather [hbm4b:s4+s2], $0x80, v4, vm0, $0xb8;
	[tilespmem:$0x18480] =	vst v63  }
0x33d: {  	s10 =	simm.s32 $0xC80;
	v3 =	vadd.s32 v1, v3  }
0x33e: {  	[tilespmem:s10], [sflag:$0x1] =	stream.indirect_vreg.gather [hbm4b:s5+s2], $0x80, v4, vm0, $0xb8;
	[tilespmem:$0x18480] =	vst v63  }
0x33f: {  	s26 =	simm.s32 $0x1480  }
0x340: {  	[tilespmem:s26], [sflag:$0x1] =	stream.indirect_vreg.gather [hbm4b:s6+s2], $0x80, v4, vm0, $0xb8;
	[tilespmem:$0x18480] =	vst v63  }
0x341: {  	s28 =	simm.s32 $0x1C80  }
0x342: {  	[tilespmem:s28], [sflag:$0x1] =	stream.indirect_vreg.gather [hbm4b:s4+s2], $0x80, v3, vm0, $0xb8;
	[tilespmem:$0x18480] =	vst v63  }
0x343: {  	s29 =	simm.s32 $0x2480  }
0x344: {  	[tilespmem:s29], [sflag:$0x1] =	stream.indirect_vreg.gather [hbm4b:s5+s2], $0x80, v3, vm0, $0xb8;
	[tilespmem:$0x18480] =	vst v63  }
0x345: {  	s10 =	simm.s32 $0x2C80  }
0x346: {  	[tilespmem:s10], [sflag:$0x1] =	stream.indirect_vreg.gather [hbm4b:s6+s2], $0x80, v3, vm0, $0xb8;
	[tilespmem:$0x18480] =	vst v63  }
0x347: {  	v3 =	vld [tilespmem:$0x290];
	_ =	sdelay $0x4  }
0x348: {  	v33 =	vshrl.u32 v3, $0x3  }
0x349: {  	v4 =	vmul.u32 $0x30, v33  }
0x34a: {  	v3 =	vand.u32 $0x7, v3  }
0x34b: {  	v3 =	vor.u32 v3, v4  }
0x34c: {  	v4 =	vperm.xlane v3, v0;
	_ =	sdelay $0x1  }
0x34d: {  	v4 =	vadd.s32 v1, v4;
	_ =	sdelay $0x3  }
0x34e: {  	s10 =	simm.s32 $0x3480;
	v3 =	vperm.xlane v3, v2  }
0x34f: {  	[tilespmem:s10], [sflag:$0x1] =	stream.indirect_vreg.gather [hbm4b:s4+s2], $0x80, v4, vm0, $0xb8;
	[tilespmem:$0x18480] =	vst v63  }
0x350: {  	s30 =	simm.s32 $0x3C80;
	v3 =	vadd.s32 v1, v3  }
0x351: {  	[tilespmem:s30], [sflag:$0x1] =	stream.indirect_vreg.gather [hbm4b:s5+s2], $0x80, v4, vm0, $0xb8;
	[tilespmem:$0x18480] =	vst v63  }
0x352: {  	s31 =	simm.s32 $0x4480  }
0x353: {  	[tilespmem:s31], [sflag:$0x1] =	stream.indirect_vreg.gather [hbm4b:s6+s2], $0x80, v4, vm0, $0xb8;
	[tilespmem:$0x18480] =	vst v63  }
0x354: {  	s10 =	simm.s32 $0x4C80  }
0x355: {  	[tilespmem:s10], [sflag:$0x1] =	stream.indirect_vreg.gather [hbm4b:s4+s2], $0x80, v3, vm0, $0xb8;
	[tilespmem:$0x18480] =	vst v63  }
0x356: {  	s1 =	simm.s32 $0x5480  }
0x357: {  	[tilespmem:s1], [sflag:$0x1] =	stream.indirect_vreg.gather [hbm4b:s5+s2], $0x80, v3, vm0, $0xb8;
	[tilespmem:$0x18480] =	vst v63  }
0x358: {  	s10 =	simm.s32 $0x5C80  }
0x359: {  	[tilespmem:s10], [sflag:$0x1] =	stream.indirect_vreg.gather [hbm4b:s6+s2], $0x80, v3, vm0, $0xb8;
	[tilespmem:$0x18480] =	vst v63  }
0x35a: {  	v3 =	vld [tilespmem:$0x2A0];
	_ =	sdelay $0x4  }
0x35b: {  	v34 =	vshrl.u32 v3, $0x3  }
0x35c: {  	v4 =	vmul.u32 $0x30, v34  }
0x35d: {  	v3 =	vand.u32 $0x7, v3  }
0x35e: {  	v3 =	vor.u32 v3, v4  }
0x35f: {  	v4 =	vperm.xlane v3, v0;
	_ =	sdelay $0x1  }
0x360: {  	v4 =	vadd.s32 v1, v4;
	_ =	sdelay $0x3  }
0x361: {  	s10 =	simm.s32 $0x6480;
	v3 =	vperm.xlane v3, v2  }
0x362: {  	[tilespmem:s10], [sflag:$0x1] =	stream.indirect_vreg.gather [hbm4b:s4+s2], $0x80, v4, vm0, $0xb8;
	[tilespmem:$0x18480] =	vst v63  }
0x363: {  	s7 =	simm.s32 $0x6C80;
	v3 =	vadd.s32 v1, v3  }
0x364: {  	[tilespmem:s7], [sflag:$0x1] =	stream.indirect_vreg.gather [hbm4b:s5+s2], $0x80, v4, vm0, $0xb8;
	[tilespmem:$0x18480] =	vst v63  }
0x365: {  	s9 =	simm.s32 $0x7480  }
0x366: {  	[tilespmem:s9], [sflag:$0x1] =	stream.indirect_vreg.gather [hbm4b:s6+s2], $0x80, v4, vm0, $0xb8;
	[tilespmem:$0x18480] =	vst v63  }
0x367: {  	s11 =	simm.s32 $0x7C80  }
0x368: {  	[tilespmem:s11], [sflag:$0x1] =	stream.indirect_vreg.gather [hbm4b:s4+s2], $0x80, v3, vm0, $0xb8;
	[tilespmem:$0x18480] =	vst v63  }
0x369: {  	s12 =	simm.s32 $0x8480  }
0x36a: {  	[tilespmem:s12], [sflag:$0x1] =	stream.indirect_vreg.gather [hbm4b:s5+s2], $0x80, v3, vm0, $0xb8;
	[tilespmem:$0x18480] =	vst v63  }
0x36b: {  	s10 =	simm.s32 $0x8C80  }
0x36c: {  	[tilespmem:s10], [sflag:$0x1] =	stream.indirect_vreg.gather [hbm4b:s6+s2], $0x80, v3, vm0, $0xb8;
	[tilespmem:$0x18480] =	vst v63  }
0x36d: {  	v3 =	vld [tilespmem:$0x2B0];
	_ =	sdelay $0x4  }
0x36e: {  	v35 =	vshrl.u32 v3, $0x3  }
0x36f: {  	v4 =	vmul.u32 $0x30, v35  }
0x370: {  	v3 =	vand.u32 $0x7, v3  }
0x371: {  	v3 =	vor.u32 v3, v4  }
0x372: {  	v4 =	vperm.xlane v3, v0;
	_ =	sdelay $0x1  }
0x373: {  	v4 =	vadd.s32 v1, v4;
	_ =	sdelay $0x3  }
0x374: {  	s10 =	simm.s32 $0x9480;
	v3 =	vperm.xlane v3, v2  }
0x375: {  	[tilespmem:s10], [sflag:$0x1] =	stream.indirect_vreg.gather [hbm4b:s4+s2], $0x80, v4, vm0, $0xb8;
	[tilespmem:$0x18480] =	vst v63  }
0x376: {  	s13 =	simm.s32 $0x9C80;
	v3 =	vadd.s32 v1, v3  }
0x377: {  	[tilespmem:s13], [sflag:$0x1] =	stream.indirect_vreg.gather [hbm4b:s5+s2], $0x80, v4, vm0, $0xb8;
	[tilespmem:$0x18480] =	vst v63  }
0x378: {  	s14 =	simm.s32 $0xA480  }
0x379: {  	[tilespmem:s14], [sflag:$0x1] =	stream.indirect_vreg.gather [hbm4b:s6+s2], $0x80, v4, vm0, $0xb8;
	[tilespmem:$0x18480] =	vst v63  }
0x37a: {  	s0 =	simm.s32 $0xAC80  }
0x37b: {  	[tilespmem:s0], [sflag:$0x1] =	stream.indirect_vreg.gather [hbm4b:s4+s2], $0x80, v3, vm0, $0xb8;
	[tilespmem:$0x18480] =	vst v63  }
0x37c: {  	s10 =	simm.s32 $0xB480  }
0x37d: {  	[tilespmem:s10], [sflag:$0x1] =	stream.indirect_vreg.gather [hbm4b:s5+s2], $0x80, v3, vm0, $0xb8;
	[tilespmem:$0x18480] =	vst v63  }
0x37e: {  	s10 =	simm.s32 $0xBC80  }
0x37f: {  	[tilespmem:s10], [sflag:$0x1] =	stream.indirect_vreg.gather [hbm4b:s6+s2], $0x80, v3, vm0, $0xb8;
	[tilespmem:$0x18480] =	vst v63  }
0x380: {  	v3 =	vld [tilespmem:$0x2C0];
	_ =	sdelay $0x4  }
0x381: {  	v36 =	vshrl.u32 v3, $0x3  }
0x382: {  	v4 =	vmul.u32 $0x30, v36  }
0x383: {  	v3 =	vand.u32 $0x7, v3  }
0x384: {  	v3 =	vor.u32 v3, v4  }
0x385: {  	v4 =	vperm.xlane v3, v0;
	_ =	sdelay $0x1  }
0x386: {  	v4 =	vadd.s32 v1, v4;
	_ =	sdelay $0x3  }
0x387: {  	s10 =	simm.s32 $0xC480;
	v3 =	vperm.xlane v3, v2  }
0x388: {  	[tilespmem:s10], [sflag:$0x1] =	stream.indirect_vreg.gather [hbm4b:s4+s2], $0x80, v4, vm0, $0xb8;
	[tilespmem:$0x18480] =	vst v63  }
0x389: {  	s16 =	simm.s32 $0xCC80;
	v3 =	vadd.s32 v1, v3  }
0x38a: {  	[tilespmem:s16], [sflag:$0x1] =	stream.indirect_vreg.gather [hbm4b:s5+s2], $0x80, v4, vm0, $0xb8;
	[tilespmem:$0x18480] =	vst v63  }
0x38b: {  	s17 =	simm.s32 $0xD480  }
0x38c: {  	[tilespmem:s17], [sflag:$0x1] =	stream.indirect_vreg.gather [hbm4b:s6+s2], $0x80, v4, vm0, $0xb8;
	[tilespmem:$0x18480] =	vst v63  }
0x38d: {  	s25 =	simm.s32 $0xDC80  }
0x38e: {  	[tilespmem:s25], [sflag:$0x1] =	stream.indirect_vreg.gather [hbm4b:s4+s2], $0x80, v3, vm0, $0xb8;
	[tilespmem:$0x18480] =	vst v63  }
0x38f: {  	s10 =	simm.s32 $0xE480  }
0x390: {  	[tilespmem:s10], [sflag:$0x1] =	stream.indirect_vreg.gather [hbm4b:s5+s2], $0x80, v3, vm0, $0xb8;
	[tilespmem:$0x18480] =	vst v63  }
0x391: {  	s10 =	simm.s32 $0xEC80  }
0x392: {  	[tilespmem:s10], [sflag:$0x1] =	stream.indirect_vreg.gather [hbm4b:s6+s2], $0x80, v3, vm0, $0xb8;
	[tilespmem:$0x18480] =	vst v63  }
0x393: {  	v3 =	vld [tilespmem:$0x2D0];
	_ =	sdelay $0x4  }
0x394: {  	v37 =	vshrl.u32 v3, $0x3  }
0x395: {  	v4 =	vmul.u32 $0x30, v37  }
0x396: {  	v3 =	vand.u32 $0x7, v3  }
0x397: {  	v3 =	vor.u32 v3, v4  }
0x398: {  	v4 =	vperm.xlane v3, v0;
	_ =	sdelay $0x1  }
0x399: {  	v4 =	vadd.s32 v1, v4;
	_ =	sdelay $0x3  }
0x39a: {  	s10 =	simm.s32 $0xF480;
	v3 =	vperm.xlane v3, v2  }
0x39b: {  	[tilespmem:s10], [sflag:$0x1] =	stream.indirect_vreg.gather [hbm4b:s4+s2], $0x80, v4, vm0, $0xb8;
	[tilespmem:$0x18480] =	vst v63  }
0x39c: {  	s18 =	simm.s32 $0xFC80;
	v3 =	vadd.s32 v1, v3  }
0x39d: {  	[tilespmem:s18], [sflag:$0x1] =	stream.indirect_vreg.gather [hbm4b:s5+s2], $0x80, v4, vm0, $0xb8;
	[tilespmem:$0x18480] =	vst v63  }
0x39e: {  	s19 =	simm.s32 $0x10480  }
0x39f: {  	[tilespmem:s19], [sflag:$0x1] =	stream.indirect_vreg.gather [hbm4b:s6+s2], $0x80, v4, vm0, $0xb8;
	[tilespmem:$0x18480] =	vst v63  }
0x3a0: {  	s10 =	simm.s32 $0x10C80  }
0x3a1: {  	[tilespmem:s10], [sflag:$0x1] =	stream.indirect_vreg.gather [hbm4b:s4+s2], $0x80, v3, vm0, $0xb8;
	[tilespmem:$0x18480] =	vst v63  }
0x3a2: {  	s10 =	simm.s32 $0x11480  }
0x3a3: {  	[tilespmem:s10], [sflag:$0x1] =	stream.indirect_vreg.gather [hbm4b:s5+s2], $0x80, v3, vm0, $0xb8;
	[tilespmem:$0x18480] =	vst v63  }
0x3a4: {  	s10 =	simm.s32 $0x11C80  }
0x3a5: {  	[tilespmem:s10], [sflag:$0x1] =	stream.indirect_vreg.gather [hbm4b:s6+s2], $0x80, v3, vm0, $0xb8;
	[tilespmem:$0x18480] =	vst v63  }
0x3a6: {  	v3 =	vld [tilespmem:$0x2E0];
	_ =	sdelay $0x4  }
0x3a7: {  	v38 =	vshrl.u32 v3, $0x3  }
0x3a8: {  	v4 =	vmul.u32 $0x30, v38  }
0x3a9: {  	v3 =	vand.u32 $0x7, v3  }
0x3aa: {  	v3 =	vor.u32 v3, v4  }
0x3ab: {  	v4 =	vperm.xlane v3, v0;
	_ =	sdelay $0x1  }
0x3ac: {  	v4 =	vadd.s32 v1, v4;
	_ =	sdelay $0x3  }
0x3ad: {  	s10 =	simm.s32 $0x12480;
	v3 =	vperm.xlane v3, v2  }
0x3ae: {  	[tilespmem:s10], [sflag:$0x1] =	stream.indirect_vreg.gather [hbm4b:s4+s2], $0x80, v4, vm0, $0xb8;
	[tilespmem:$0x18480] =	vst v63  }
0x3af: {  	s20 =	simm.s32 $0x12C80;
	v3 =	vadd.s32 v1, v3  }
0x3b0: {  	[tilespmem:s20], [sflag:$0x1] =	stream.indirect_vreg.gather [hbm4b:s5+s2], $0x80, v4, vm0, $0xb8;
	[tilespmem:$0x18480] =	vst v63  }
0x3b1: {  	s21 =	simm.s32 $0x13480  }
0x3b2: {  	[tilespmem:s21], [sflag:$0x1] =	stream.indirect_vreg.gather [hbm4b:s6+s2], $0x80, v4, vm0, $0xb8;
	[tilespmem:$0x18480] =	vst v63  }
0x3b3: {  	s10 =	simm.s32 $0x13C80  }
0x3b4: {  	[tilespmem:s10], [sflag:$0x1] =	stream.indirect_vreg.gather [hbm4b:s4+s2], $0x80, v3, vm0, $0xb8;
	[tilespmem:$0x18480] =	vst v63  }
0x3b5: {  	s10 =	simm.s32 $0x14480  }
0x3b6: {  	[tilespmem:s10], [sflag:$0x1] =	stream.indirect_vreg.gather [hbm4b:s5+s2], $0x80, v3, vm0, $0xb8;
	[tilespmem:$0x18480] =	vst v63  }
0x3b7: {  	s10 =	simm.s32 $0x14C80  }
0x3b8: {  	[tilespmem:s10], [sflag:$0x1] =	stream.indirect_vreg.gather [hbm4b:s6+s2], $0x80, v3, vm0, $0xb8;
	[tilespmem:$0x18480] =	vst v63  }
0x3b9: {  	v3 =	vld [tilespmem:$0x2F0];
	_ =	sdelay $0x4  }
0x3ba: {  	v39 =	vshrl.u32 v3, $0x3  }
0x3bb: {  	v4 =	vmul.u32 $0x30, v39  }
0x3bc: {  	v3 =	vand.u32 $0x7, v3  }
0x3bd: {  	v3 =	vor.u32 v3, v4  }
0x3be: {  	v4 =	vperm.xlane v3, v0;
	_ =	sdelay $0x1  }
0x3bf: {  	v4 =	vadd.s32 v1, v4;
	_ =	sdelay $0x3  }
0x3c0: {  	s10 =	simm.s32 $0x15480;
	v3 =	vperm.xlane v3, v2  }
0x3c1: {  	[tilespmem:s10], [sflag:$0x1] =	stream.indirect_vreg.gather [hbm4b:s4+s2], $0x80, v4, vm0, $0xb8;
	[tilespmem:$0x18480] =	vst v63  }
0x3c2: {  	s22 =	simm.s32 $0x15C80;
	v3 =	vadd.s32 v1, v3  }
0x3c3: {  	[tilespmem:s22], [sflag:$0x1] =	stream.indirect_vreg.gather [hbm4b:s5+s2], $0x80, v4, vm0, $0xb8;
	[tilespmem:$0x18480] =	vst v63  }
0x3c4: {  	s23 =	simm.s32 $0x16480  }
0x3c5: {  	[tilespmem:s23], [sflag:$0x1] =	stream.indirect_vreg.gather [hbm4b:s6+s2], $0x80, v4, vm0, $0xb8;
	[tilespmem:$0x18480] =	vst v63  }
0x3c6: {  	s10 =	simm.s32 $0x16C80  }
0x3c7: {  	[tilespmem:s10], [sflag:$0x1] =	stream.indirect_vreg.gather [hbm4b:s4+s2], $0x80, v3, vm0, $0xb8;
	[tilespmem:$0x18480] =	vst v63  }
0x3c8: {  	s10 =	simm.s32 $0x17480  }
0x3c9: {  	[tilespmem:s10], [sflag:$0x1] =	stream.indirect_vreg.gather [hbm4b:s5+s2], $0x80, v3, vm0, $0xb8;
	[tilespmem:$0x18480] =	vst v63  }
0x3ca: {  	s24 =	simm.s32 $0x17C80  }
0x3cb: {  	[tilespmem:s24], [sflag:$0x1] =	stream.indirect_vreg.gather [hbm4b:s6+s2], $0x80, v3, vm0, $0xb8;
	[tilespmem:$0x18480] =	vst v63  }
0x3cc: {  	_ =	swait.ge [sflag:s3], $0x18000  }
0x3cd: {  	[sflag:s3] =	ssyncset.done $0x0  }
0x3ce: {  	s10 =	rddreg [dreg:$0x8];
	[sflag:s3] =	ssyncadd.s32 $0xFFFE8000  }
0x3cf: {  	[hbm4b:s10+s2] =	stream.linear.scatter [tilespmem:s15], [sflag:$0x2], $0x18000, $0x38;
	[tilespmem:$0x18480] =	vst v63  }
0x3d0: {  	_ =	swait.ge [sflag:s8], $0x18000  }
0x3d1: {  	[sflag:s8] =	ssyncset.done $0x0  }
0x3d2: {  	[sflag:s8] =	ssyncadd.s32 $0xFFFE8000  }
0x3d3: {  	v3 =	vld [tilespmem:$0x300];
	_ =	sdelay $0x4  }
0x3d4: {  	v40 =	vshrl.u32 v3, $0x3  }
0x3d5: {  	v4 =	vmul.u32 $0x30, v40  }
0x3d6: {  	v3 =	vand.u32 $0x7, v3  }
0x3d7: {  	v3 =	vor.u32 v3, v4  }
0x3d8: {  	v4 =	vperm.xlane v3, v0;
	_ =	sdelay $0x1  }
0x3d9: {  	v4 =	vadd.s32 v1, v4;
	_ =	sdelay $0x3  }
0x3da: {  	v3 =	vperm.xlane v3, v2  }
0x3db: {  	[tilespmem:s15], [sflag:$0x1] =	stream.indirect_vreg.gather [hbm4b:s4+s2], $0x80, v4, vm0, $0xb8;
	[tilespmem:$0x18480] =	vst v63  }
0x3dc: {  	s10 =	simm.s32 $0xC80;
	v3 =	vadd.s32 v1, v3  }
0x3dd: {  	[tilespmem:s10], [sflag:$0x1] =	stream.indirect_vreg.gather [hbm4b:s5+s2], $0x80, v4, vm0, $0xb8;
	[tilespmem:$0x18480] =	vst v63  }
0x3de: {  	s26 =	simm.s32 $0x1480  }
0x3df: {  	[tilespmem:s26], [sflag:$0x1] =	stream.indirect_vreg.gather [hbm4b:s6+s2], $0x80, v4, vm0, $0xb8;
	[tilespmem:$0x18480] =	vst v63  }
0x3e0: {  	s28 =	simm.s32 $0x1C80  }
0x3e1: {  	[tilespmem:s28], [sflag:$0x1] =	stream.indirect_vreg.gather [hbm4b:s4+s2], $0x80, v3, vm0, $0xb8;
	[tilespmem:$0x18480] =	vst v63  }
0x3e2: {  	s29 =	simm.s32 $0x2480  }
0x3e3: {  	[tilespmem:s29], [sflag:$0x1] =	stream.indirect_vreg.gather [hbm4b:s5+s2], $0x80, v3, vm0, $0xb8;
	[tilespmem:$0x18480] =	vst v63  }
0x3e4: {  	s10 =	simm.s32 $0x2C80  }
0x3e5: {  	[tilespmem:s10], [sflag:$0x1] =	stream.indirect_vreg.gather [hbm4b:s6+s2], $0x80, v3, vm0, $0xb8;
	[tilespmem:$0x18480] =	vst v63  }
0x3e6: {  	v3 =	vld [tilespmem:$0x310];
	_ =	sdelay $0x4  }
0x3e7: {  	v41 =	vshrl.u32 v3, $0x3  }
0x3e8: {  	v4 =	vmul.u32 $0x30, v41  }
0x3e9: {  	v3 =	vand.u32 $0x7, v3  }
0x3ea: {  	v3 =	vor.u32 v3, v4  }
0x3eb: {  	v4 =	vperm.xlane v3, v0;
	_ =	sdelay $0x1  }
0x3ec: {  	v4 =	vadd.s32 v1, v4;
	_ =	sdelay $0x3  }
0x3ed: {  	s10 =	simm.s32 $0x3480;
	v3 =	vperm.xlane v3, v2  }
0x3ee: {  	[tilespmem:s10], [sflag:$0x1] =	stream.indirect_vreg.gather [hbm4b:s4+s2], $0x80, v4, vm0, $0xb8;
	[tilespmem:$0x18480] =	vst v63  }
0x3ef: {  	s30 =	simm.s32 $0x3C80;
	v3 =	vadd.s32 v1, v3  }
0x3f0: {  	[tilespmem:s30], [sflag:$0x1] =	stream.indirect_vreg.gather [hbm4b:s5+s2], $0x80, v4, vm0, $0xb8;
	[tilespmem:$0x18480] =	vst v63  }
0x3f1: {  	s31 =	simm.s32 $0x4480  }
0x3f2: {  	[tilespmem:s31], [sflag:$0x1] =	stream.indirect_vreg.gather [hbm4b:s6+s2], $0x80, v4, vm0, $0xb8;
	[tilespmem:$0x18480] =	vst v63  }
0x3f3: {  	s10 =	simm.s32 $0x4C80  }
0x3f4: {  	[tilespmem:s10], [sflag:$0x1] =	stream.indirect_vreg.gather [hbm4b:s4+s2], $0x80, v3, vm0, $0xb8;
	[tilespmem:$0x18480] =	vst v63  }
0x3f5: {  	s1 =	simm.s32 $0x5480  }
0x3f6: {  	[tilespmem:s1], [sflag:$0x1] =	stream.indirect_vreg.gather [hbm4b:s5+s2], $0x80, v3, vm0, $0xb8;
	[tilespmem:$0x18480] =	vst v63  }
0x3f7: {  	s10 =	simm.s32 $0x5C80  }
0x3f8: {  	[tilespmem:s10], [sflag:$0x1] =	stream.indirect_vreg.gather [hbm4b:s6+s2], $0x80, v3, vm0, $0xb8;
	[tilespmem:$0x18480] =	vst v63  }
0x3f9: {  	v3 =	vld [tilespmem:$0x320];
	_ =	sdelay $0x4  }
0x3fa: {  	v42 =	vshrl.u32 v3, $0x3  }
0x3fb: {  	v4 =	vmul.u32 $0x30, v42  }
0x3fc: {  	v3 =	vand.u32 $0x7, v3  }
0x3fd: {  	v3 =	vor.u32 v3, v4  }
0x3fe: {  	v4 =	vperm.xlane v3, v0;
	_ =	sdelay $0x1  }
0x3ff: {  	v4 =	vadd.s32 v1, v4;
	_ =	sdelay $0x3  }
0x400: {  	s10 =	simm.s32 $0x6480;
	v3 =	vperm.xlane v3, v2  }
0x401: {  	[tilespmem:s10], [sflag:$0x1] =	stream.indirect_vreg.gather [hbm4b:s4+s2], $0x80, v4, vm0, $0xb8;
	[tilespmem:$0x18480] =	vst v63  }
0x402: {  	s7 =	simm.s32 $0x6C80;
	v3 =	vadd.s32 v1, v3  }
0x403: {  	[tilespmem:s7], [sflag:$0x1] =	stream.indirect_vreg.gather [hbm4b:s5+s2], $0x80, v4, vm0, $0xb8;
	[tilespmem:$0x18480] =	vst v63  }
0x404: {  	s9 =	simm.s32 $0x7480  }
0x405: {  	[tilespmem:s9], [sflag:$0x1] =	stream.indirect_vreg.gather [hbm4b:s6+s2], $0x80, v4, vm0, $0xb8;
	[tilespmem:$0x18480] =	vst v63  }
0x406: {  	s11 =	simm.s32 $0x7C80  }
0x407: {  	[tilespmem:s11], [sflag:$0x1] =	stream.indirect_vreg.gather [hbm4b:s4+s2], $0x80, v3, vm0, $0xb8;
	[tilespmem:$0x18480] =	vst v63  }
0x408: {  	s12 =	simm.s32 $0x8480  }
0x409: {  	[tilespmem:s12], [sflag:$0x1] =	stream.indirect_vreg.gather [hbm4b:s5+s2], $0x80, v3, vm0, $0xb8;
	[tilespmem:$0x18480] =	vst v63  }
0x40a: {  	s11 =	simm.s32 $0x8C80  }
0x40b: {  	[tilespmem:s11], [sflag:$0x1] =	stream.indirect_vreg.gather [hbm4b:s6+s2], $0x80, v3, vm0, $0xb8;
	[tilespmem:$0x18480] =	vst v63  }
0x40c: {  	v3 =	vld [tilespmem:$0x330];
	_ =	sdelay $0x4  }
0x40d: {  	v43 =	vshrl.u32 v3, $0x3  }
0x40e: {  	v4 =	vmul.u32 $0x30, v43  }
0x40f: {  	v3 =	vand.u32 $0x7, v3  }
0x410: {  	v3 =	vor.u32 v3, v4  }
0x411: {  	v4 =	vperm.xlane v3, v0;
	_ =	sdelay $0x1  }
0x412: {  	v4 =	vadd.s32 v1, v4;
	_ =	sdelay $0x3  }
0x413: {  	s12 =	simm.s32 $0x9480;
	v3 =	vperm.xlane v3, v2  }
0x414: {  	[tilespmem:s12], [sflag:$0x1] =	stream.indirect_vreg.gather [hbm4b:s4+s2], $0x80, v4, vm0, $0xb8;
	[tilespmem:$0x18480] =	vst v63  }
0x415: {  	s13 =	simm.s32 $0x9C80;
	v3 =	vadd.s32 v1, v3  }
0x416: {  	[tilespmem:s13], [sflag:$0x1] =	stream.indirect_vreg.gather [hbm4b:s5+s2], $0x80, v4, vm0, $0xb8;
	[tilespmem:$0x18480] =	vst v63  }
0x417: {  	s14 =	simm.s32 $0xA480  }
0x418: {  	[tilespmem:s14], [sflag:$0x1] =	stream.indirect_vreg.gather [hbm4b:s6+s2], $0x80, v4, vm0, $0xb8;
	[tilespmem:$0x18480] =	vst v63  }
0x419: {  	s0 =	simm.s32 $0xAC80  }
0x41a: {  	[tilespmem:s0], [sflag:$0x1] =	stream.indirect_vreg.gather [hbm4b:s4+s2], $0x80, v3, vm0, $0xb8;
	[tilespmem:$0x18480] =	vst v63  }
0x41b: {  	s13 =	simm.s32 $0xB480  }
0x41c: {  	[tilespmem:s13], [sflag:$0x1] =	stream.indirect_vreg.gather [hbm4b:s5+s2], $0x80, v3, vm0, $0xb8;
	[tilespmem:$0x18480] =	vst v63  }
0x41d: {  	s14 =	simm.s32 $0xBC80  }
0x41e: {  	[tilespmem:s14], [sflag:$0x1] =	stream.indirect_vreg.gather [hbm4b:s6+s2], $0x80, v3, vm0, $0xb8;
	[tilespmem:$0x18480] =	vst v63  }
0x41f: {  	v3 =	vld [tilespmem:$0x340];
	_ =	sdelay $0x4  }
0x420: {  	v44 =	vshrl.u32 v3, $0x3  }
0x421: {  	v4 =	vmul.u32 $0x30, v44  }
0x422: {  	v3 =	vand.u32 $0x7, v3  }
0x423: {  	v3 =	vor.u32 v3, v4  }
0x424: {  	v4 =	vperm.xlane v3, v0;
	_ =	sdelay $0x1  }
0x425: {  	v4 =	vadd.s32 v1, v4;
	_ =	sdelay $0x3  }
0x426: {  	s7 =	simm.s32 $0xC480;
	v3 =	vperm.xlane v3, v2  }
0x427: {  	[tilespmem:s7], [sflag:$0x1] =	stream.indirect_vreg.gather [hbm4b:s4+s2], $0x80, v4, vm0, $0xb8;
	[tilespmem:$0x18480] =	vst v63  }
0x428: {  	s16 =	simm.s32 $0xCC80;
	v3 =	vadd.s32 v1, v3  }
0x429: {  	[tilespmem:s16], [sflag:$0x1] =	stream.indirect_vreg.gather [hbm4b:s5+s2], $0x80, v4, vm0, $0xb8;
	[tilespmem:$0x18480] =	vst v63  }
0x42a: {  	s17 =	simm.s32 $0xD480  }
0x42b: {  	[tilespmem:s17], [sflag:$0x1] =	stream.indirect_vreg.gather [hbm4b:s6+s2], $0x80, v4, vm0, $0xb8;
	[tilespmem:$0x18480] =	vst v63  }
0x42c: {  	s25 =	simm.s32 $0xDC80  }
0x42d: {  	[tilespmem:s25], [sflag:$0x1] =	stream.indirect_vreg.gather [hbm4b:s4+s2], $0x80, v3, vm0, $0xb8;
	[tilespmem:$0x18480] =	vst v63  }
0x42e: {  	s9 =	simm.s32 $0xE480  }
0x42f: {  	[tilespmem:s9], [sflag:$0x1] =	stream.indirect_vreg.gather [hbm4b:s5+s2], $0x80, v3, vm0, $0xb8;
	[tilespmem:$0x18480] =	vst v63  }
0x430: {  	s10 =	simm.s32 $0xEC80  }
0x431: {  	[tilespmem:s10], [sflag:$0x1] =	stream.indirect_vreg.gather [hbm4b:s6+s2], $0x80, v3, vm0, $0xb8;
	[tilespmem:$0x18480] =	vst v63  }
0x432: {  	v3 =	vld [tilespmem:$0x350];
	_ =	sdelay $0x4  }
0x433: {  	v45 =	vshrl.u32 v3, $0x3  }
0x434: {  	v4 =	vmul.u32 $0x30, v45  }
0x435: {  	v3 =	vand.u32 $0x7, v3  }
0x436: {  	v3 =	vor.u32 v3, v4  }
0x437: {  	v4 =	vperm.xlane v3, v0;
	_ =	sdelay $0x1  }
0x438: {  	v4 =	vadd.s32 v1, v4;
	_ =	sdelay $0x3  }
0x439: {  	s11 =	simm.s32 $0xF480;
	v3 =	vperm.xlane v3, v2  }
0x43a: {  	[tilespmem:s11], [sflag:$0x1] =	stream.indirect_vreg.gather [hbm4b:s4+s2], $0x80, v4, vm0, $0xb8;
	[tilespmem:$0x18480] =	vst v63  }
0x43b: {  	s18 =	simm.s32 $0xFC80;
	v3 =	vadd.s32 v1, v3  }
0x43c: {  	[tilespmem:s18], [sflag:$0x1] =	stream.indirect_vreg.gather [hbm4b:s5+s2], $0x80, v4, vm0, $0xb8;
	[tilespmem:$0x18480] =	vst v63  }
0x43d: {  	s19 =	simm.s32 $0x10480  }
0x43e: {  	[tilespmem:s19], [sflag:$0x1] =	stream.indirect_vreg.gather [hbm4b:s6+s2], $0x80, v4, vm0, $0xb8;
	[tilespmem:$0x18480] =	vst v63  }
0x43f: {  	s12 =	simm.s32 $0x10C80  }
0x440: {  	[tilespmem:s12], [sflag:$0x1] =	stream.indirect_vreg.gather [hbm4b:s4+s2], $0x80, v3, vm0, $0xb8;
	[tilespmem:$0x18480] =	vst v63  }
0x441: {  	s13 =	simm.s32 $0x11480  }
0x442: {  	[tilespmem:s13], [sflag:$0x1] =	stream.indirect_vreg.gather [hbm4b:s5+s2], $0x80, v3, vm0, $0xb8;
	[tilespmem:$0x18480] =	vst v63  }
0x443: {  	s14 =	simm.s32 $0x11C80  }
0x444: {  	[tilespmem:s14], [sflag:$0x1] =	stream.indirect_vreg.gather [hbm4b:s6+s2], $0x80, v3, vm0, $0xb8;
	[tilespmem:$0x18480] =	vst v63  }
0x445: {  	v3 =	vld [tilespmem:$0x360];
	_ =	sdelay $0x4  }
0x446: {  	v46 =	vshrl.u32 v3, $0x3  }
0x447: {  	v4 =	vmul.u32 $0x30, v46  }
0x448: {  	v3 =	vand.u32 $0x7, v3  }
0x449: {  	v3 =	vor.u32 v3, v4  }
0x44a: {  	v4 =	vperm.xlane v3, v0;
	_ =	sdelay $0x1  }
0x44b: {  	v4 =	vadd.s32 v1, v4;
	_ =	sdelay $0x3  }
0x44c: {  	s16 =	simm.s32 $0x12480;
	v3 =	vperm.xlane v3, v2  }
0x44d: {  	[tilespmem:s16], [sflag:$0x1] =	stream.indirect_vreg.gather [hbm4b:s4+s2], $0x80, v4, vm0, $0xb8;
	[tilespmem:$0x18480] =	vst v63  }
0x44e: {  	s20 =	simm.s32 $0x12C80;
	v3 =	vadd.s32 v1, v3  }
0x44f: {  	[tilespmem:s20], [sflag:$0x1] =	stream.indirect_vreg.gather [hbm4b:s5+s2], $0x80, v4, vm0, $0xb8;
	[tilespmem:$0x18480] =	vst v63  }
0x450: {  	s21 =	simm.s32 $0x13480  }
0x451: {  	[tilespmem:s21], [sflag:$0x1] =	stream.indirect_vreg.gather [hbm4b:s6+s2], $0x80, v4, vm0, $0xb8;
	[tilespmem:$0x18480] =	vst v63  }
0x452: {  	s18 =	simm.s32 $0x13C80  }
0x453: {  	[tilespmem:s18], [sflag:$0x1] =	stream.indirect_vreg.gather [hbm4b:s4+s2], $0x80, v3, vm0, $0xb8;
	[tilespmem:$0x18480] =	vst v63  }
0x454: {  	s19 =	simm.s32 $0x14480  }
0x455: {  	[tilespmem:s19], [sflag:$0x1] =	stream.indirect_vreg.gather [hbm4b:s5+s2], $0x80, v3, vm0, $0xb8;
	[tilespmem:$0x18480] =	vst v63  }
0x456: {  	s20 =	simm.s32 $0x14C80  }
0x457: {  	[tilespmem:s20], [sflag:$0x1] =	stream.indirect_vreg.gather [hbm4b:s6+s2], $0x80, v3, vm0, $0xb8;
	[tilespmem:$0x18480] =	vst v63  }
0x458: {  	v3 =	vld [tilespmem:$0x370];
	_ =	sdelay $0x4  }
0x459: {  	v47 =	vshrl.u32 v3, $0x3  }
0x45a: {  	v4 =	vmul.u32 $0x30, v47  }
0x45b: {  	v3 =	vand.u32 $0x7, v3  }
0x45c: {  	v3 =	vor.u32 v3, v4  }
0x45d: {  	v4 =	vperm.xlane v3, v0;
	_ =	sdelay $0x1  }
0x45e: {  	v4 =	vadd.s32 v1, v4;
	_ =	sdelay $0x3  }
0x45f: {  	s21 =	simm.s32 $0x15480;
	v3 =	vperm.xlane v3, v2  }
0x460: {  	[tilespmem:s21], [sflag:$0x1] =	stream.indirect_vreg.gather [hbm4b:s4+s2], $0x80, v4, vm0, $0xb8;
	[tilespmem:$0x18480] =	vst v63  }
0x461: {  	s22 =	simm.s32 $0x15C80;
	v3 =	vadd.s32 v1, v3  }
0x462: {  	[tilespmem:s22], [sflag:$0x1] =	stream.indirect_vreg.gather [hbm4b:s5+s2], $0x80, v4, vm0, $0xb8;
	[tilespmem:$0x18480] =	vst v63  }
0x463: {  	s23 =	simm.s32 $0x16480  }
0x464: {  	[tilespmem:s23], [sflag:$0x1] =	stream.indirect_vreg.gather [hbm4b:s6+s2], $0x80, v4, vm0, $0xb8;
	[tilespmem:$0x18480] =	vst v63  }
0x465: {  	s22 =	simm.s32 $0x16C80  }
0x466: {  	[tilespmem:s22], [sflag:$0x1] =	stream.indirect_vreg.gather [hbm4b:s4+s2], $0x80, v3, vm0, $0xb8;
	[tilespmem:$0x18480] =	vst v63  }
0x467: {  	s23 =	simm.s32 $0x17480  }
0x468: {  	[tilespmem:s23], [sflag:$0x1] =	stream.indirect_vreg.gather [hbm4b:s5+s2], $0x80, v3, vm0, $0xb8;
	[tilespmem:$0x18480] =	vst v63  }
0x469: {  	s24 =	simm.s32 $0x17C80  }
0x46a: {  	[tilespmem:s24], [sflag:$0x1] =	stream.indirect_vreg.gather [hbm4b:s6+s2], $0x80, v3, vm0, $0xb8;
	[tilespmem:$0x18480] =	vst v63  }
0x46b: {  	_ =	swait.ge [sflag:s3], $0x18000  }
0x46c: {  	[sflag:s3] =	ssyncset.done $0x0  }
0x46d: {  	s1 =	rddreg [dreg:$0x9];
	[sflag:s3] =	ssyncadd.s32 $0xFFFE8000  }
0x46e: {  	[hbm4b:s1+s2] =	stream.linear.scatter [tilespmem:s15], [sflag:$0x2], $0x18000, $0x38;
	[tilespmem:$0x18480] =	vst v63  }
0x46f: {  	_ =	swait.ge [sflag:s8], $0x18000  }
0x470: {  	[sflag:s8] =	ssyncset.done $0x0  }
0x471: {  	[sflag:s8] =	ssyncadd.s32 $0xFFFE8000  }
0x472: {  	v3 =	vld [tilespmem:$0x380];
	_ =	sdelay $0x4  }
0x473: {  	v48 =	vshrl.u32 v3, $0x3  }
0x474: {  	v4 =	vmul.u32 $0x30, v48  }
0x475: {  	v3 =	vand.u32 $0x7, v3  }
0x476: {  	v3 =	vor.u32 v3, v4  }
0x477: {  	v4 =	vperm.xlane v3, v0;
	_ =	sdelay $0x1  }
0x478: {  	v4 =	vadd.s32 v1, v4;
	_ =	sdelay $0x3  }
0x479: {  	v3 =	vperm.xlane v3, v2  }
0x47a: {  	[tilespmem:s15], [sflag:$0x1] =	stream.indirect_vreg.gather [hbm4b:s4+s2], $0x80, v4, vm0, $0xb8;
	[tilespmem:$0x18480] =	vst v63  }
0x47b: {  	s7 =	simm.s32 $0xC80;
	v3 =	vadd.s32 v1, v3  }
0x47c: {  	[tilespmem:s7], [sflag:$0x1] =	stream.indirect_vreg.gather [hbm4b:s5+s2], $0x80, v4, vm0, $0xb8;
	[tilespmem:$0x18480] =	vst v63  }
0x47d: {  	s26 =	simm.s32 $0x1480  }
0x47e: {  	[tilespmem:s26], [sflag:$0x1] =	stream.indirect_vreg.gather [hbm4b:s6+s2], $0x80, v4, vm0, $0xb8;
	[tilespmem:$0x18480] =	vst v63  }
0x47f: {  	s28 =	simm.s32 $0x1C80  }
0x480: {  	[tilespmem:s28], [sflag:$0x1] =	stream.indirect_vreg.gather [hbm4b:s4+s2], $0x80, v3, vm0, $0xb8;
	[tilespmem:$0x18480] =	vst v63  }
0x481: {  	s29 =	simm.s32 $0x2480  }
0x482: {  	[tilespmem:s29], [sflag:$0x1] =	stream.indirect_vreg.gather [hbm4b:s5+s2], $0x80, v3, vm0, $0xb8;
	[tilespmem:$0x18480] =	vst v63  }
0x483: {  	s9 =	simm.s32 $0x2C80  }
0x484: {  	[tilespmem:s9], [sflag:$0x1] =	stream.indirect_vreg.gather [hbm4b:s6+s2], $0x80, v3, vm0, $0xb8;
	[tilespmem:$0x18480] =	vst v63  }
0x485: {  	v3 =	vld [tilespmem:$0x390];
	_ =	sdelay $0x4  }
0x486: {  	v49 =	vshrl.u32 v3, $0x3  }
0x487: {  	v4 =	vmul.u32 $0x30, v49  }
0x488: {  	v3 =	vand.u32 $0x7, v3  }
0x489: {  	v3 =	vor.u32 v3, v4  }
0x48a: {  	v4 =	vperm.xlane v3, v0;
	_ =	sdelay $0x1  }
0x48b: {  	v4 =	vadd.s32 v1, v4;
	_ =	sdelay $0x3  }
0x48c: {  	s10 =	simm.s32 $0x3480;
	v3 =	vperm.xlane v3, v2  }
0x48d: {  	[tilespmem:s10], [sflag:$0x1] =	stream.indirect_vreg.gather [hbm4b:s4+s2], $0x80, v4, vm0, $0xb8;
	[tilespmem:$0x18480] =	vst v63  }
0x48e: {  	s30 =	simm.s32 $0x3C80;
	v3 =	vadd.s32 v1, v3  }
0x48f: {  	[tilespmem:s30], [sflag:$0x1] =	stream.indirect_vreg.gather [hbm4b:s5+s2], $0x80, v4, vm0, $0xb8;
	[tilespmem:$0x18480] =	vst v63  }
0x490: {  	s31 =	simm.s32 $0x4480  }
0x491: {  	[tilespmem:s31], [sflag:$0x1] =	stream.indirect_vreg.gather [hbm4b:s6+s2], $0x80, v4, vm0, $0xb8;
	[tilespmem:$0x18480] =	vst v63  }
0x492: {  	s11 =	simm.s32 $0x4C80  }
0x493: {  	[tilespmem:s11], [sflag:$0x1] =	stream.indirect_vreg.gather [hbm4b:s4+s2], $0x80, v3, vm0, $0xb8;
	[tilespmem:$0x18480] =	vst v63  }
0x494: {  	s12 =	simm.s32 $0x5480  }
0x495: {  	[tilespmem:s12], [sflag:$0x1] =	stream.indirect_vreg.gather [hbm4b:s5+s2], $0x80, v3, vm0, $0xb8;
	[tilespmem:$0x18480] =	vst v63  }
0x496: {  	s13 =	simm.s32 $0x5C80  }
0x497: {  	[tilespmem:s13], [sflag:$0x1] =	stream.indirect_vreg.gather [hbm4b:s6+s2], $0x80, v3, vm0, $0xb8;
	[tilespmem:$0x18480] =	vst v63  }
0x498: {  	v3 =	vld [tilespmem:$0x3A0];
	_ =	sdelay $0x4  }
0x499: {  	v50 =	vshrl.u32 v3, $0x3  }
0x49a: {  	v4 =	vmul.u32 $0x30, v50  }
0x49b: {  	v3 =	vand.u32 $0x7, v3  }
0x49c: {  	v3 =	vor.u32 v3, v4  }
0x49d: {  	v4 =	vperm.xlane v3, v0;
	_ =	sdelay $0x1  }
0x49e: {  	v4 =	vadd.s32 v1, v4;
	_ =	sdelay $0x3  }
0x49f: {  	s14 =	simm.s32 $0x6480;
	v3 =	vperm.xlane v3, v2  }
0x4a0: {  	[tilespmem:s14], [sflag:$0x1] =	stream.indirect_vreg.gather [hbm4b:s4+s2], $0x80, v4, vm0, $0xb8;
	[tilespmem:$0x18480] =	vst v63  }
0x4a1: {  	s16 =	simm.s32 $0x6C80;
	v3 =	vadd.s32 v1, v3  }
0x4a2: {  	[tilespmem:s16], [sflag:$0x1] =	stream.indirect_vreg.gather [hbm4b:s5+s2], $0x80, v4, vm0, $0xb8;
	[tilespmem:$0x18480] =	vst v63  }
0x4a3: {  	s18 =	simm.s32 $0x7480  }
0x4a4: {  	[tilespmem:s18], [sflag:$0x1] =	stream.indirect_vreg.gather [hbm4b:s6+s2], $0x80, v4, vm0, $0xb8;
	[tilespmem:$0x18480] =	vst v63  }
0x4a5: {  	s19 =	simm.s32 $0x7C80  }
0x4a6: {  	[tilespmem:s19], [sflag:$0x1] =	stream.indirect_vreg.gather [hbm4b:s4+s2], $0x80, v3, vm0, $0xb8;
	[tilespmem:$0x18480] =	vst v63  }
0x4a7: {  	s20 =	simm.s32 $0x8480  }
0x4a8: {  	[tilespmem:s20], [sflag:$0x1] =	stream.indirect_vreg.gather [hbm4b:s5+s2], $0x80, v3, vm0, $0xb8;
	[tilespmem:$0x18480] =	vst v63  }
0x4a9: {  	s21 =	simm.s32 $0x8C80  }
0x4aa: {  	[tilespmem:s21], [sflag:$0x1] =	stream.indirect_vreg.gather [hbm4b:s6+s2], $0x80, v3, vm0, $0xb8;
	[tilespmem:$0x18480] =	vst v63  }
0x4ab: {  	v3 =	vld [tilespmem:$0x3B0];
	_ =	sdelay $0x4  }
0x4ac: {  	v51 =	vshrl.u32 v3, $0x3  }
0x4ad: {  	v4 =	vmul.u32 $0x30, v51  }
0x4ae: {  	v3 =	vand.u32 $0x7, v3  }
0x4af: {  	v3 =	vor.u32 v3, v4  }
0x4b0: {  	v4 =	vperm.xlane v3, v0;
	_ =	sdelay $0x1  }
0x4b1: {  	v4 =	vadd.s32 v1, v4;
	_ =	sdelay $0x3  }
0x4b2: {  	s22 =	simm.s32 $0x9480;
	v3 =	vperm.xlane v3, v2  }
0x4b3: {  	[tilespmem:s22], [sflag:$0x1] =	stream.indirect_vreg.gather [hbm4b:s4+s2], $0x80, v4, vm0, $0xb8;
	[tilespmem:$0x18480] =	vst v63  }
0x4b4: {  	s23 =	simm.s32 $0x9C80;
	v3 =	vadd.s32 v1, v3  }
0x4b5: {  	[tilespmem:s23], [sflag:$0x1] =	stream.indirect_vreg.gather [hbm4b:s5+s2], $0x80, v4, vm0, $0xb8;
	[tilespmem:$0x18480] =	vst v63  }
0x4b6: {  	s24 =	simm.s32 $0xA480  }
0x4b7: {  	[tilespmem:s24], [sflag:$0x1] =	stream.indirect_vreg.gather [hbm4b:s6+s2], $0x80, v4, vm0, $0xb8;
	[tilespmem:$0x18480] =	vst v63  }
0x4b8: {  	s0 =	simm.s32 $0xAC80  }
0x4b9: {  	[tilespmem:s0], [sflag:$0x1] =	stream.indirect_vreg.gather [hbm4b:s4+s2], $0x80, v3, vm0, $0xb8;
	[tilespmem:$0x18480] =	vst v63  }
0x4ba: {  	s10 =	simm.s32 $0xB480  }
0x4bb: {  	[tilespmem:s10], [sflag:$0x1] =	stream.indirect_vreg.gather [hbm4b:s5+s2], $0x80, v3, vm0, $0xb8;
	[tilespmem:$0x18480] =	vst v63  }
0x4bc: {  	s18 =	simm.s32 $0xBC80  }
0x4bd: {  	[tilespmem:s18], [sflag:$0x1] =	stream.indirect_vreg.gather [hbm4b:s6+s2], $0x80, v3, vm0, $0xb8;
	[tilespmem:$0x18480] =	vst v63  }
0x4be: {  	v3 =	vld [tilespmem:$0x3C0];
	_ =	sdelay $0x4  }
0x4bf: {  	v52 =	vshrl.u32 v3, $0x3  }
0x4c0: {  	v4 =	vmul.u32 $0x30, v52  }
0x4c1: {  	v3 =	vand.u32 $0x7, v3  }
0x4c2: {  	v3 =	vor.u32 v3, v4  }
0x4c3: {  	v4 =	vperm.xlane v3, v0;
	_ =	sdelay $0x1  }
0x4c4: {  	v4 =	vadd.s32 v1, v4;
	_ =	sdelay $0x3  }
0x4c5: {  	s19 =	simm.s32 $0xC480;
	v3 =	vperm.xlane v3, v2  }
0x4c6: {  	[tilespmem:s19], [sflag:$0x1] =	stream.indirect_vreg.gather [hbm4b:s4+s2], $0x80, v4, vm0, $0xb8;
	[tilespmem:$0x18480] =	vst v63  }
0x4c7: {  	s20 =	simm.s32 $0xCC80;
	v3 =	vadd.s32 v1, v3  }
0x4c8: {  	[tilespmem:s20], [sflag:$0x1] =	stream.indirect_vreg.gather [hbm4b:s5+s2], $0x80, v4, vm0, $0xb8;
	[tilespmem:$0x18480] =	vst v63  }
0x4c9: {  	s17 =	simm.s32 $0xD480  }
0x4ca: {  	[tilespmem:s17], [sflag:$0x1] =	stream.indirect_vreg.gather [hbm4b:s6+s2], $0x80, v4, vm0, $0xb8;
	[tilespmem:$0x18480] =	vst v63  }
0x4cb: {  	s25 =	simm.s32 $0xDC80  }
0x4cc: {  	[tilespmem:s25], [sflag:$0x1] =	stream.indirect_vreg.gather [hbm4b:s4+s2], $0x80, v3, vm0, $0xb8;
	[tilespmem:$0x18480] =	vst v63  }
0x4cd: {  	s21 =	simm.s32 $0xE480  }
0x4ce: {  	[tilespmem:s21], [sflag:$0x1] =	stream.indirect_vreg.gather [hbm4b:s5+s2], $0x80, v3, vm0, $0xb8;
	[tilespmem:$0x18480] =	vst v63  }
0x4cf: {  	s22 =	simm.s32 $0xEC80  }
0x4d0: {  	[tilespmem:s22], [sflag:$0x1] =	stream.indirect_vreg.gather [hbm4b:s6+s2], $0x80, v3, vm0, $0xb8;
	[tilespmem:$0x18480] =	vst v63  }
0x4d1: {  	v3 =	vld [tilespmem:$0x3D0];
	_ =	sdelay $0x4  }
0x4d2: {  	v53 =	vshrl.u32 v3, $0x3  }
0x4d3: {  	v4 =	vmul.u32 $0x30, v53  }
0x4d4: {  	v3 =	vand.u32 $0x7, v3  }
0x4d5: {  	v3 =	vor.u32 v3, v4  }
0x4d6: {  	v4 =	vperm.xlane v3, v0;
	_ =	sdelay $0x1  }
0x4d7: {  	v4 =	vadd.s32 v1, v4;
	_ =	sdelay $0x3  }
0x4d8: {  	s23 =	simm.s32 $0xF480;
	v3 =	vperm.xlane v3, v2  }
0x4d9: {  	[tilespmem:s23], [sflag:$0x1] =	stream.indirect_vreg.gather [hbm4b:s4+s2], $0x80, v4, vm0, $0xb8;
	[tilespmem:$0x18480] =	vst v63  }
0x4da: {  	s19 =	simm.s32 $0xFC80;
	v3 =	vadd.s32 v1, v3  }
0x4db: {  	[tilespmem:s19], [sflag:$0x1] =	stream.indirect_vreg.gather [hbm4b:s5+s2], $0x80, v4, vm0, $0xb8;
	[tilespmem:$0x18480] =	vst v63  }
0x4dc: {  	s20 =	simm.s32 $0x10480  }
0x4dd: {  	[tilespmem:s20], [sflag:$0x1] =	stream.indirect_vreg.gather [hbm4b:s6+s2], $0x80, v4, vm0, $0xb8;
	[tilespmem:$0x18480] =	vst v63  }
0x4de: {  	s21 =	simm.s32 $0x10C80  }
0x4df: {  	[tilespmem:s21], [sflag:$0x1] =	stream.indirect_vreg.gather [hbm4b:s4+s2], $0x80, v3, vm0, $0xb8;
	[tilespmem:$0x18480] =	vst v63  }
0x4e0: {  	s22 =	simm.s32 $0x11480  }
0x4e1: {  	[tilespmem:s22], [sflag:$0x1] =	stream.indirect_vreg.gather [hbm4b:s5+s2], $0x80, v3, vm0, $0xb8;
	[tilespmem:$0x18480] =	vst v63  }
0x4e2: {  	s23 =	simm.s32 $0x11C80  }
0x4e3: {  	[tilespmem:s23], [sflag:$0x1] =	stream.indirect_vreg.gather [hbm4b:s6+s2], $0x80, v3, vm0, $0xb8;
	[tilespmem:$0x18480] =	vst v63  }
0x4e4: {  	v3 =	vld [tilespmem:$0x3E0];
	_ =	sdelay $0x4  }
0x4e5: {  	v54 =	vshrl.u32 v3, $0x3  }
0x4e6: {  	v4 =	vmul.u32 $0x30, v54  }
0x4e7: {  	v3 =	vand.u32 $0x7, v3  }
0x4e8: {  	v3 =	vor.u32 v3, v4  }
0x4e9: {  	v4 =	vperm.xlane v3, v0;
	_ =	sdelay $0x1  }
0x4ea: {  	v4 =	vadd.s32 v1, v4;
	_ =	sdelay $0x3  }
0x4eb: {  	s23 =	simm.s32 $0x12480;
	v3 =	vperm.xlane v3, v2  }
0x4ec: {  	[tilespmem:s23], [sflag:$0x1] =	stream.indirect_vreg.gather [hbm4b:s4+s2], $0x80, v4, vm0, $0xb8;
	[tilespmem:$0x18480] =	vst v63  }
0x4ed: {  	v3 =	vadd.s32 v1, v3;
	s23 =	simm.s32 $0x12C80  }
0x4ee: {  	[tilespmem:s23], [sflag:$0x1] =	stream.indirect_vreg.gather [hbm4b:s5+s2], $0x80, v4, vm0, $0xb8;
	[tilespmem:$0x18480] =	vst v63  }
0x4ef: {  	s10 =	simm.s32 $0x13480  }
0x4f0: {  	[tilespmem:s10], [sflag:$0x1] =	stream.indirect_vreg.gather [hbm4b:s6+s2], $0x80, v4, vm0, $0xb8;
	[tilespmem:$0x18480] =	vst v63  }
0x4f1: {  	s10 =	simm.s32 $0x13C80  }
0x4f2: {  	[tilespmem:s10], [sflag:$0x1] =	stream.indirect_vreg.gather [hbm4b:s4+s2], $0x80, v3, vm0, $0xb8;
	[tilespmem:$0x18480] =	vst v63  }
0x4f3: {  	s10 =	simm.s32 $0x14480  }
0x4f4: {  	[tilespmem:s10], [sflag:$0x1] =	stream.indirect_vreg.gather [hbm4b:s5+s2], $0x80, v3, vm0, $0xb8;
	[tilespmem:$0x18480] =	vst v63  }
0x4f5: {  	s10 =	simm.s32 $0x14C80  }
0x4f6: {  	[tilespmem:s10], [sflag:$0x1] =	stream.indirect_vreg.gather [hbm4b:s6+s2], $0x80, v3, vm0, $0xb8;
	[tilespmem:$0x18480] =	vst v63  }
0x4f7: {  	v3 =	vld [tilespmem:$0x3F0];
	_ =	sdelay $0x4  }
0x4f8: {  	v55 =	vshrl.u32 v3, $0x3  }
0x4f9: {  	v4 =	vmul.u32 $0x30, v55  }
0x4fa: {  	v3 =	vand.u32 $0x7, v3  }
0x4fb: {  	v3 =	vor.u32 v3, v4  }
0x4fc: {  	v4 =	vperm.xlane v3, v0;
	_ =	sdelay $0x1  }
0x4fd: {  	v4 =	vadd.s32 v1, v4;
	_ =	sdelay $0x3  }
0x4fe: {  	s10 =	simm.s32 $0x15480;
	v3 =	vperm.xlane v3, v2  }
0x4ff: {  	[tilespmem:s10], [sflag:$0x1] =	stream.indirect_vreg.gather [hbm4b:s4+s2], $0x80, v4, vm0, $0xb8;
	[tilespmem:$0x18480] =	vst v63  }
0x500: {  	v3 =	vadd.s32 v1, v3;
	s10 =	simm.s32 $0x15C80  }
0x501: {  	[tilespmem:s10], [sflag:$0x1] =	stream.indirect_vreg.gather [hbm4b:s5+s2], $0x80, v4, vm0, $0xb8;
	[tilespmem:$0x18480] =	vst v63  }
0x502: {  	s10 =	simm.s32 $0x16480  }
0x503: {  	[tilespmem:s10], [sflag:$0x1] =	stream.indirect_vreg.gather [hbm4b:s6+s2], $0x80, v4, vm0, $0xb8;
	[tilespmem:$0x18480] =	vst v63  }
0x504: {  	s10 =	simm.s32 $0x16C80  }
0x505: {  	[tilespmem:s10], [sflag:$0x1] =	stream.indirect_vreg.gather [hbm4b:s4+s2], $0x80, v3, vm0, $0xb8;
	[tilespmem:$0x18480] =	vst v63  }
0x506: {  	s10 =	simm.s32 $0x17480  }
0x507: {  	[tilespmem:s10], [sflag:$0x1] =	stream.indirect_vreg.gather [hbm4b:s5+s2], $0x80, v3, vm0, $0xb8;
	[tilespmem:$0x18480] =	vst v63  }
0x508: {  	s10 =	simm.s32 $0x17C80  }
0x509: {  	[tilespmem:s10], [sflag:$0x1] =	stream.indirect_vreg.gather [hbm4b:s6+s2], $0x80, v3, vm0, $0xb8;
	[tilespmem:$0x18480] =	vst v63  }
0x50a: {  	_ =	swait.ge [sflag:s3], $0x18000  }
0x50b: {  	[sflag:s3] =	ssyncset.done $0x0  }
0x50c: {  	s10 =	rddreg [dreg:$0xa];
	[sflag:s3] =	ssyncadd.s32 $0xFFFE8000  }
0x50d: {  	[hbm4b:s10+s2] =	stream.linear.scatter [tilespmem:s15], [sflag:$0x2], $0x18000, $0x38;
	[tilespmem:$0x18480] =	vst v63  }
0x50e: {  	_ =	swait.ge [sflag:s8], $0x18000  }
0x50f: {  	[sflag:s8] =	ssyncset.done $0x0  }
0x510: {  	[sflag:s8] =	ssyncadd.s32 $0xFFFE8000  }
0x511: {  	v3 =	vld [tilespmem:$0x400];
	_ =	sdelay $0x4  }
0x512: {  	v56 =	vshrl.u32 v3, $0x3  }
0x513: {  	v4 =	vmul.u32 $0x30, v56  }
0x514: {  	v3 =	vand.u32 $0x7, v3  }
0x515: {  	v3 =	vor.u32 v3, v4  }
0x516: {  	v4 =	vperm.xlane v3, v0;
	_ =	sdelay $0x1  }
0x517: {  	v4 =	vadd.s32 v1, v4;
	_ =	sdelay $0x3  }
0x518: {  	v3 =	vperm.xlane v3, v2  }
0x519: {  	[tilespmem:s15], [sflag:$0x1] =	stream.indirect_vreg.gather [hbm4b:s4+s2], $0x80, v4, vm0, $0xb8;
	[tilespmem:$0x18480] =	vst v63  }
0x51a: {  	s10 =	simm.s32 $0xC80;
	v3 =	vadd.s32 v1, v3  }
0x51b: {  	[tilespmem:s10], [sflag:$0x1] =	stream.indirect_vreg.gather [hbm4b:s5+s2], $0x80, v4, vm0, $0xb8;
	[tilespmem:$0x18480] =	vst v63  }
0x51c: {  	s1 =	simm.s32 $0x1480  }
0x51d: {  	[tilespmem:s1], [sflag:$0x1] =	stream.indirect_vreg.gather [hbm4b:s6+s2], $0x80, v4, vm0, $0xb8;
	[tilespmem:$0x18480] =	vst v63  }
0x51e: {  	s26 =	simm.s32 $0x1C80  }
0x51f: {  	[tilespmem:s26], [sflag:$0x1] =	stream.indirect_vreg.gather [hbm4b:s4+s2], $0x80, v3, vm0, $0xb8;
	[tilespmem:$0x18480] =	vst v63  }
0x520: {  	s28 =	simm.s32 $0x2480  }
0x521: {  	[tilespmem:s28], [sflag:$0x1] =	stream.indirect_vreg.gather [hbm4b:s5+s2], $0x80, v3, vm0, $0xb8;
	[tilespmem:$0x18480] =	vst v63  }
0x522: {  	s26 =	simm.s32 $0x2C80  }
0x523: {  	[tilespmem:s26], [sflag:$0x1] =	stream.indirect_vreg.gather [hbm4b:s6+s2], $0x80, v3, vm0, $0xb8;
	[tilespmem:$0x18480] =	vst v63  }
0x524: {  	v3 =	vld [tilespmem:$0x410];
	_ =	sdelay $0x4  }
0x525: {  	v57 =	vshrl.u32 v3, $0x3  }
0x526: {  	v4 =	vmul.u32 $0x30, v57  }
0x527: {  	v3 =	vand.u32 $0x7, v3  }
0x528: {  	v3 =	vor.u32 v3, v4  }
0x529: {  	v4 =	vperm.xlane v3, v0;
	_ =	sdelay $0x1  }
0x52a: {  	v4 =	vadd.s32 v1, v4;
	_ =	sdelay $0x3  }
0x52b: {  	s28 =	simm.s32 $0x3480;
	v3 =	vperm.xlane v3, v2  }
0x52c: {  	[tilespmem:s28], [sflag:$0x1] =	stream.indirect_vreg.gather [hbm4b:s4+s2], $0x80, v4, vm0, $0xb8;
	[tilespmem:$0x18480] =	vst v63  }
0x52d: {  	s29 =	simm.s32 $0x3C80;
	v3 =	vadd.s32 v1, v3  }
0x52e: {  	[tilespmem:s29], [sflag:$0x1] =	stream.indirect_vreg.gather [hbm4b:s5+s2], $0x80, v4, vm0, $0xb8;
	[tilespmem:$0x18480] =	vst v63  }
0x52f: {  	s30 =	simm.s32 $0x4480  }
0x530: {  	[tilespmem:s30], [sflag:$0x1] =	stream.indirect_vreg.gather [hbm4b:s6+s2], $0x80, v4, vm0, $0xb8;
	[tilespmem:$0x18480] =	vst v63  }
0x531: {  	s31 =	simm.s32 $0x4C80  }
0x532: {  	[tilespmem:s31], [sflag:$0x1] =	stream.indirect_vreg.gather [hbm4b:s4+s2], $0x80, v3, vm0, $0xb8;
	[tilespmem:$0x18480] =	vst v63  }
0x533: {  	s7 =	simm.s32 $0x5480  }
0x534: {  	[tilespmem:s7], [sflag:$0x1] =	stream.indirect_vreg.gather [hbm4b:s5+s2], $0x80, v3, vm0, $0xb8;
	[tilespmem:$0x18480] =	vst v63  }
0x535: {  	s31 =	simm.s32 $0x5C80  }
0x536: {  	[tilespmem:s31], [sflag:$0x1] =	stream.indirect_vreg.gather [hbm4b:s6+s2], $0x80, v3, vm0, $0xb8;
	[tilespmem:$0x18480] =	vst v63  }
0x537: {  	v3 =	vld [tilespmem:$0x420];
	_ =	sdelay $0x4  }
0x538: {  	v58 =	vshrl.u32 v3, $0x3  }
0x539: {  	v4 =	vmul.u32 $0x30, v58  }
0x53a: {  	v3 =	vand.u32 $0x7, v3  }
0x53b: {  	v3 =	vor.u32 v3, v4  }
0x53c: {  	v4 =	vperm.xlane v3, v0;
	_ =	sdelay $0x1  }
0x53d: {  	v4 =	vadd.s32 v1, v4;
	_ =	sdelay $0x3  }
0x53e: {  	s7 =	simm.s32 $0x6480;
	v3 =	vperm.xlane v3, v2  }
0x53f: {  	[tilespmem:s7], [sflag:$0x1] =	stream.indirect_vreg.gather [hbm4b:s4+s2], $0x80, v4, vm0, $0xb8;
	[tilespmem:$0x18480] =	vst v63  }
0x540: {  	s9 =	simm.s32 $0x6C80;
	v3 =	vadd.s32 v1, v3  }
0x541: {  	[tilespmem:s9], [sflag:$0x1] =	stream.indirect_vreg.gather [hbm4b:s5+s2], $0x80, v4, vm0, $0xb8;
	[tilespmem:$0x18480] =	vst v63  }
0x542: {  	s11 =	simm.s32 $0x7480  }
0x543: {  	[tilespmem:s11], [sflag:$0x1] =	stream.indirect_vreg.gather [hbm4b:s6+s2], $0x80, v4, vm0, $0xb8;
	[tilespmem:$0x18480] =	vst v63  }
0x544: {  	s12 =	simm.s32 $0x7C80  }
0x545: {  	[tilespmem:s12], [sflag:$0x1] =	stream.indirect_vreg.gather [hbm4b:s4+s2], $0x80, v3, vm0, $0xb8;
	[tilespmem:$0x18480] =	vst v63  }
0x546: {  	s13 =	simm.s32 $0x8480  }
0x547: {  	[tilespmem:s13], [sflag:$0x1] =	stream.indirect_vreg.gather [hbm4b:s5+s2], $0x80, v3, vm0, $0xb8;
	[tilespmem:$0x18480] =	vst v63  }
0x548: {  	s9 =	simm.s32 $0x8C80  }
0x549: {  	[tilespmem:s9], [sflag:$0x1] =	stream.indirect_vreg.gather [hbm4b:s6+s2], $0x80, v3, vm0, $0xb8;
	[tilespmem:$0x18480] =	vst v63  }
0x54a: {  	v3 =	vld [tilespmem:$0x430];
	_ =	sdelay $0x4  }
0x54b: {  	v59 =	vshrl.u32 v3, $0x3  }
0x54c: {  	v4 =	vmul.u32 $0x30, v59  }
0x54d: {  	v3 =	vand.u32 $0x7, v3  }
0x54e: {  	v3 =	vor.u32 v3, v4  }
0x54f: {  	v4 =	vperm.xlane v3, v0;
	_ =	sdelay $0x1  }
0x550: {  	v4 =	vadd.s32 v1, v4;
	_ =	sdelay $0x3  }
0x551: {  	s10 =	simm.s32 $0x9480;
	v3 =	vperm.xlane v3, v2  }
0x552: {  	[tilespmem:s10], [sflag:$0x1] =	stream.indirect_vreg.gather [hbm4b:s4+s2], $0x80, v4, vm0, $0xb8;
	[tilespmem:$0x18480] =	vst v63  }
0x553: {  	s14 =	simm.s32 $0x9C80;
	v3 =	vadd.s32 v1, v3  }
0x554: {  	[tilespmem:s14], [sflag:$0x1] =	stream.indirect_vreg.gather [hbm4b:s5+s2], $0x80, v4, vm0, $0xb8;
	[tilespmem:$0x18480] =	vst v63  }
0x555: {  	s16 =	simm.s32 $0xA480  }
0x556: {  	[tilespmem:s16], [sflag:$0x1] =	stream.indirect_vreg.gather [hbm4b:s6+s2], $0x80, v4, vm0, $0xb8;
	[tilespmem:$0x18480] =	vst v63  }
0x557: {  	s24 =	simm.s32 $0xAC80  }
0x558: {  	[tilespmem:s24], [sflag:$0x1] =	stream.indirect_vreg.gather [hbm4b:s4+s2], $0x80, v3, vm0, $0xb8;
	[tilespmem:$0x18480] =	vst v63  }
0x559: {  	s11 =	simm.s32 $0xB480  }
0x55a: {  	[tilespmem:s11], [sflag:$0x1] =	stream.indirect_vreg.gather [hbm4b:s5+s2], $0x80, v3, vm0, $0xb8;
	[tilespmem:$0x18480] =	vst v63  }
0x55b: {  	s12 =	simm.s32 $0xBC80  }
0x55c: {  	[tilespmem:s12], [sflag:$0x1] =	stream.indirect_vreg.gather [hbm4b:s6+s2], $0x80, v3, vm0, $0xb8;
	[tilespmem:$0x18480] =	vst v63  }
0x55d: {  	v3 =	vld [tilespmem:$0x440];
	_ =	sdelay $0x4  }
0x55e: {  	v60 =	vshrl.u32 v3, $0x3  }
0x55f: {  	v4 =	vmul.u32 $0x30, v60  }
0x560: {  	v3 =	vand.u32 $0x7, v3  }
0x561: {  	v3 =	vor.u32 v3, v4  }
0x562: {  	v4 =	vperm.xlane v3, v0;
	_ =	sdelay $0x1  }
0x563: {  	v4 =	vadd.s32 v1, v4;
	_ =	sdelay $0x3  }
0x564: {  	s13 =	simm.s32 $0xC480;
	v3 =	vperm.xlane v3, v2  }
0x565: {  	[tilespmem:s13], [sflag:$0x1] =	stream.indirect_vreg.gather [hbm4b:s4+s2], $0x80, v4, vm0, $0xb8;
	[tilespmem:$0x18480] =	vst v63  }
0x566: {  	s0 =	simm.s32 $0xCC80;
	v3 =	vadd.s32 v1, v3  }
0x567: {  	[tilespmem:s0], [sflag:$0x1] =	stream.indirect_vreg.gather [hbm4b:s5+s2], $0x80, v4, vm0, $0xb8;
	[tilespmem:$0x18480] =	vst v63  }
0x568: {  	s17 =	simm.s32 $0xD480  }
0x569: {  	[tilespmem:s17], [sflag:$0x1] =	stream.indirect_vreg.gather [hbm4b:s6+s2], $0x80, v4, vm0, $0xb8;
	[tilespmem:$0x18480] =	vst v63  }
0x56a: {  	s18 =	simm.s32 $0xDC80  }
0x56b: {  	[tilespmem:s18], [sflag:$0x1] =	stream.indirect_vreg.gather [hbm4b:s4+s2], $0x80, v3, vm0, $0xb8;
	[tilespmem:$0x18480] =	vst v63  }
0x56c: {  	s25 =	simm.s32 $0xE480  }
0x56d: {  	[tilespmem:s25], [sflag:$0x1] =	stream.indirect_vreg.gather [hbm4b:s5+s2], $0x80, v3, vm0, $0xb8;
	[tilespmem:$0x18480] =	vst v63  }
0x56e: {  	s16 =	simm.s32 $0xEC80  }
0x56f: {  	[tilespmem:s16], [sflag:$0x1] =	stream.indirect_vreg.gather [hbm4b:s6+s2], $0x80, v3, vm0, $0xb8;
	[tilespmem:$0x18480] =	vst v63  }
0x570: {  	v3 =	vld [tilespmem:$0x450];
	_ =	sdelay $0x4  }
0x571: {  	v61 =	vshrl.u32 v3, $0x3  }
0x572: {  	v4 =	vmul.u32 $0x30, v61  }
0x573: {  	v3 =	vand.u32 $0x7, v3  }
0x574: {  	v3 =	vor.u32 v3, v4  }
0x575: {  	v4 =	vperm.xlane v3, v0;
	_ =	sdelay $0x1  }
0x576: {  	v4 =	vadd.s32 v1, v4;
	_ =	sdelay $0x3  }
0x577: {  	s17 =	simm.s32 $0xF480;
	v3 =	vperm.xlane v3, v2  }
0x578: {  	[tilespmem:s17], [sflag:$0x1] =	stream.indirect_vreg.gather [hbm4b:s4+s2], $0x80, v4, vm0, $0xb8;
	[tilespmem:$0x18480] =	vst v63  }
0x579: {  	s19 =	simm.s32 $0xFC80;
	v3 =	vadd.s32 v1, v3  }
0x57a: {  	[tilespmem:s19], [sflag:$0x1] =	stream.indirect_vreg.gather [hbm4b:s5+s2], $0x80, v4, vm0, $0xb8;
	[tilespmem:$0x18480] =	vst v63  }
0x57b: {  	s20 =	simm.s32 $0x10480  }
0x57c: {  	[tilespmem:s20], [sflag:$0x1] =	stream.indirect_vreg.gather [hbm4b:s6+s2], $0x80, v4, vm0, $0xb8;
	[tilespmem:$0x18480] =	vst v63  }
0x57d: {  	s21 =	simm.s32 $0x10C80  }
0x57e: {  	[tilespmem:s21], [sflag:$0x1] =	stream.indirect_vreg.gather [hbm4b:s4+s2], $0x80, v3, vm0, $0xb8;
	[tilespmem:$0x18480] =	vst v63  }
0x57f: {  	s22 =	simm.s32 $0x11480  }
0x580: {  	[tilespmem:s22], [sflag:$0x1] =	stream.indirect_vreg.gather [hbm4b:s5+s2], $0x80, v3, vm0, $0xb8;
	[tilespmem:$0x18480] =	vst v63  }
0x581: {  	s18 =	simm.s32 $0x11C80  }
0x582: {  	[tilespmem:s18], [sflag:$0x1] =	stream.indirect_vreg.gather [hbm4b:s6+s2], $0x80, v3, vm0, $0xb8;
	[tilespmem:$0x18480] =	vst v63  }
0x583: {  	v3 =	vld [tilespmem:$0x460];
	_ =	sdelay $0x4  }
0x584: {  	v62 =	vshrl.u32 v3, $0x3  }
0x585: {  	v4 =	vmul.u32 $0x30, v62  }
0x586: {  	v3 =	vand.u32 $0x7, v3  }
0x587: {  	v3 =	vor.u32 v3, v4  }
0x588: {  	v4 =	vperm.xlane v3, v0;
	_ =	sdelay $0x1  }
0x589: {  	v4 =	vadd.s32 v1, v4;
	_ =	sdelay $0x3  }
0x58a: {  	s19 =	simm.s32 $0x12480;
	v3 =	vperm.xlane v3, v2  }
0x58b: {  	[tilespmem:s19], [sflag:$0x1] =	stream.indirect_vreg.gather [hbm4b:s4+s2], $0x80, v4, vm0, $0xb8;
	[tilespmem:$0x18480] =	vst v63  }
0x58c: {  	s23 =	simm.s32 $0x12C80;
	v3 =	vadd.s32 v1, v3  }
0x58d: {  	[tilespmem:s23], [sflag:$0x1] =	stream.indirect_vreg.gather [hbm4b:s5+s2], $0x80, v4, vm0, $0xb8;
	[tilespmem:$0x18480] =	vst v63  }
0x58e: {  	s20 =	simm.s32 $0x13480  }
0x58f: {  	[tilespmem:s20], [sflag:$0x1] =	stream.indirect_vreg.gather [hbm4b:s6+s2], $0x80, v4, vm0, $0xb8;
	[tilespmem:$0x18480] =	vst v63  }
0x590: {  	s21 =	simm.s32 $0x13C80  }
0x591: {  	[tilespmem:s21], [sflag:$0x1] =	stream.indirect_vreg.gather [hbm4b:s4+s2], $0x80, v3, vm0, $0xb8;
	[tilespmem:$0x18480] =	vst v63  }
0x592: {  	s22 =	simm.s32 $0x14480  }
0x593: {  	[tilespmem:s22], [sflag:$0x1] =	stream.indirect_vreg.gather [hbm4b:s5+s2], $0x80, v3, vm0, $0xb8;
	[tilespmem:$0x18480] =	vst v63  }
0x594: {  	s23 =	simm.s32 $0x14C80  }
0x595: {  	[tilespmem:s23], [sflag:$0x1] =	stream.indirect_vreg.gather [hbm4b:s6+s2], $0x80, v3, vm0, $0xb8;
	[tilespmem:$0x18480] =	vst v63  }
0x596: {  	v3 =	vld [tilespmem:$0x470];
	_ =	sdelay $0x4  }
0x597: {  	v63 =	vshrl.u32 v3, $0x3  }
0x598: {  	v4 =	vmul.u32 $0x30, v63  }
0x599: {  	v3 =	vand.u32 $0x7, v3  }
0x59a: {  	v3 =	vor.u32 v3, v4  }
0x59b: {  	v4 =	vperm.xlane v3, v0;
	_ =	sdelay $0x1  }
0x59c: {  	v4 =	vadd.s32 v1, v4;
	_ =	sdelay $0x3  }
0x59d: {  	s24 =	simm.s32 $0x15480;
	v3 =	vperm.xlane v3, v2  }
0x59e: {  	[tilespmem:s24], [sflag:$0x1] =	stream.indirect_vreg.gather [hbm4b:s4+s2], $0x80, v4, vm0, $0xb8;
	[tilespmem:$0x18480] =	vst v63  }
0x59f: {  	s25 =	simm.s32 $0x15C80;
	v3 =	vadd.s32 v1, v3  }
0x5a0: {  	[tilespmem:s25], [sflag:$0x1] =	stream.indirect_vreg.gather [hbm4b:s5+s2], $0x80, v4, vm0, $0xb8;
	[tilespmem:$0x18480] =	vst v63  }
0x5a1: {  	s26 =	simm.s32 $0x16480  }
0x5a2: {  	[tilespmem:s26], [sflag:$0x1] =	stream.indirect_vreg.gather [hbm4b:s6+s2], $0x80, v4, vm0, $0xb8;
	[tilespmem:$0x18480] =	vst v63  }
0x5a3: {  	s28 =	simm.s32 $0x16C80  }
0x5a4: {  	[tilespmem:s28], [sflag:$0x1] =	stream.indirect_vreg.gather [hbm4b:s4+s2], $0x80, v3, vm0, $0xb8;
	[tilespmem:$0x18480] =	vst v63  }
0x5a5: {  	s29 =	simm.s32 $0x17480  }
0x5a6: {  	[tilespmem:s29], [sflag:$0x1] =	stream.indirect_vreg.gather [hbm4b:s5+s2], $0x80, v3, vm0, $0xb8;
	[tilespmem:$0x18480] =	vst v63  }
0x5a7: {  	s30 =	simm.s32 $0x17C80  }
0x5a8: {  	[tilespmem:s30], [sflag:$0x1] =	stream.indirect_vreg.gather [hbm4b:s6+s2], $0x80, v3, vm0, $0xb8;
	[tilespmem:$0x18480] =	vst v63  }
0x5a9: {  	s14 =	rddreg [dreg:$0xd];
	_ =	swait.ge [sflag:s3], $0x18000  }
0x5aa: {  	p0 =	sne.s32 s14, $0x1;
	[sflag:s3] =	ssyncset.done $0x0  }
.Ltmp0:
0x5ab: {  	s31 =	rddreg [dreg:$0xb];
	[sflag:s3] =	ssyncadd.s32 $0xFFFE8000;
	(pc) =	sbr.rel @p0 .LBB2_1-.Ltmp0, $4  }
0x5ac: {  	[hbm4b:s31+s2] =	stream.linear.scatter [tilespmem:s15], [sflag:$0x2], $0x18000, $0x38;
	[tilespmem:$0x18480] =	vst v63  }
0x5ad: {  	_ =	swait.ge [sflag:s8], $0x18000  }
0x5ae: {  	[sflag:s8] =	ssyncset.done $0x0  }
0x5af: {  	s0 =	sadd.s32 $0xFFFFFFFF, s14;
	[sflag:s8] =	ssyncadd.s32 $0xFFFE8000  }
0x5b0: {  	_ =	sfence.sel $0x180000  }
0x5b1: {  	[bflag:$0x0] =	sbarrier.arrive $0xFFFF  }
0x5b2: {  	_ =	strace $0x90000047  }
0x5b3: {  	s0 =	stileid.u32;
	[bflag:$0x2] =	sbarrier.arrive $0xFFFF  }
0x5b4: {  	p0 =	sne.s32 s0, $0x0;
	s0 =	rddreg [dreg:$0x2]  }
0x5b5: {  	s0 =	sadd.s32 @!p0 $0x100000, s0  }
0x5b6: {  	[sflag:s0] =	ssyncadd.tile.s32 @!p0 $0x1;
	_ =	shalt  }
.Lfunc_end2:
_tile_overlayer_lowered:
.L_overlay_start_2:
0x5b7: {  	(tag) =	ssettag $0x2  }
0x5b8: {  	s0 =	rddreg [dreg:$0x0];
	s2 =	stileid.u32  }
0x5b9: {  	s1 =	rddreg [dreg:$0x1];
	p0 =	sne.s32 s2, $0x0  }
0x5ba: {  	s3 =	rddreg [dreg:$0x2];
	[bflag:$0x3] =	sbarrier.arrive $0xFFFF;
	s2 =	simm.s32 @!p0 $0x1C02  }
0x5bb: {  	[timem:s3], [sflag:s2] =	dma.local @!p0 [hbm:s0], s1  }
0x5bc: {  	s0 =	simm.s32 @!p0 $0x2  }
0x5bd: {  	_ =	swait.ge @!p0 [sflag:s0], s1  }
0x5be: {  	s1 =	ssub.s32 @!p0 $0x0, s1;
	[sflag:s0] =	ssyncset.done @!p0 $0x0  }
0x5bf: {  	[sflag:s0] =	ssyncadd.s32 @!p0 s1  }
0x5c0: {  	[bflag:$0x3] =	sbarrier.arrive $0xFFFF  }
0x5c1: {  	_ =	shalt  }

</sc_bundles>
